<compile_context>
chip_gen: v7x
topology: tpu7x:2x2x1
jax: 0.10.2.dev20260603
libtpu: 0.0.44.dev20260713+nightly
codegen_flags: <defaults>
</compile_context>

<pallas_src>
import functools

import jax
import jax.numpy as jnp
from jax import lax
from jax.experimental import pallas as pl
from jax.experimental.pallas import tpu as pltpu, tpu_sc as plsc

_NUM_EXPERTS = 16
_TOP_K = 8
_D_MODEL = 2048
_D_FF = 1024
_SHARED_D_FF = 2048
_SCALE = 2.5

_F_BLOCK = 512
_F_BLOCKS = _D_FF // _F_BLOCK
_S_BLOCK = 512
_S_STEPS = _SHARED_D_FF // _S_BLOCK

_L = 16


def _take(v, perm):
    dnums = lax.GatherDimensionNumbers(
        offset_dims=(), collapsed_slice_dims=(0,), start_index_map=(0,))
    return lax.gather(
        v, perm[:, None], dnums, slice_sizes=(1,),
        mode=lax.GatherScatterMode.PROMISE_IN_BOUNDS)


def _sc_router_body(x_hbm, gw_hbm, bias_hbm, idx_hbm, wts_hbm,
                    gw_row_v, x_v, bias_v, tmp_v, stage_v, idx_v, wts_v,
                    logits_sh):
    cid = lax.axis_index("c")
    sid = lax.axis_index("s")
    iota = lax.broadcasted_iota(jnp.int32, (_L,), 0)

    def allsum(v):
        for k in (1, 2, 4, 8):
            v = v + _take(v, iota ^ k)
        return v

    def allmax(v):
        for k in (1, 2, 4, 8):
            v = jnp.maximum(v, _take(v, iota ^ k))
        return v

    def allmin(v):
        for k in (1, 2, 4, 8):
            v = jnp.minimum(v, _take(v, iota ^ k))
        return v

    @pl.when(cid == 0)
    def _core0():
        pltpu.sync_copy(gw_hbm.at[sid], gw_row_v)
        pltpu.sync_copy(x_hbm, x_v)

        def chunk(j, acc):
            return acc + gw_row_v[pl.ds(j * _L, _L)] * x_v[pl.ds(j * _L, _L)]

        acc = lax.fori_loop(0, _D_MODEL // _L, chunk,
                            jnp.zeros((_L,), jnp.float32))
        tmp_v[...] = allsum(acc)
        pltpu.sync_copy(tmp_v, logits_sh.at[sid])
        plsc.subcore_barrier()

        @pl.when(sid == 0)
        def _router():
            pltpu.sync_copy(logits_sh, stage_v)
            pltpu.sync_copy(bias_hbm, bias_v)
            logits = jnp.zeros((_L,), jnp.float32)
            for j in range(_NUM_EXPERTS):
                logits = jnp.where(iota == j, stage_v[j], logits)
            scores = 1.0 / (1.0 + jnp.exp(-logits))
            b = scores + bias_v[...]
            idx_vec = jnp.zeros((_L,), jnp.int32)
            sel_vec = jnp.zeros((_L,), jnp.float32)
            for r in range(_TOP_K):
                m = allmax(b)
                e = allmin(jnp.where(b == m, iota, _NUM_EXPERTS))
                onehot = iota == e
                slot = iota == r
                idx_vec = jnp.where(slot, e, idx_vec)
                sel_r = allsum(jnp.where(onehot, scores, 0.0))
                sel_vec = jnp.where(slot, sel_r, sel_vec)
                b = jnp.where(onehot, -jnp.inf, b)
            total = allsum(sel_vec)
            inv = _SCALE / (total + 1e-20)
            wts_vec = sel_vec * inv
            idx_v[...] = idx_vec
            wts_v[...] = wts_vec
            pltpu.sync_copy(idx_v, idx_hbm)
            pltpu.sync_copy(wts_v, wts_hbm)


_sc_router = functools.partial(
    pl.kernel,
    mesh=plsc.VectorSubcoreMesh(core_axis_name="c", subcore_axis_name="s"),
    out_type=(
        jax.ShapeDtypeStruct((_L,), jnp.int32),
        jax.ShapeDtypeStruct((_L,), jnp.float32),
    ),
    scratch_types=[
        pltpu.VMEM((_D_MODEL,), jnp.float32),
        pltpu.VMEM((_D_MODEL,), jnp.float32),
        pltpu.VMEM((_L,), jnp.float32),
        pltpu.VMEM((_L,), jnp.float32),
        pltpu.VMEM((_L, _L), jnp.float32),
        pltpu.VMEM((_L,), jnp.int32),
        pltpu.VMEM((_L,), jnp.float32),
        pltpu.VMEM_SHARED((_L, _L), jnp.float32),
    ],
)(_sc_router_body)


def _shared_body(x_ref, sw1_ref, sw3_ref, sw2_ref, out_ref):
    s = pl.program_id(0)
    xv = x_ref[...]

    @pl.when(s == 0)
    def _init():
        out_ref[...] = jnp.zeros_like(out_ref)

    g = jax.lax.dot_general(
        xv, sw1_ref[...], (((1,), (1,)), ((), ())),
        preferred_element_type=jnp.float32)
    u = jax.lax.dot_general(
        xv, sw3_ref[...], (((1,), (1,)), ((), ())),
        preferred_element_type=jnp.float32)
    h = (g * jax.nn.sigmoid(g)) * u
    out_ref[...] += jax.lax.dot_general(
        h, sw2_ref[...], (((1,), (1,)), ((), ())),
        preferred_element_type=jnp.float32)


def _routed_body(idx_ref, wts_ref, x_ref, shared_ref, w1_ref, w3_ref, w2_ref,
                 out_ref):
    k = pl.program_id(0)
    f = pl.program_id(1)

    @pl.when((k == 0) & (f == 0))
    def _init():
        out_ref[...] = shared_ref[...]

    xv = x_ref[...]
    g = jax.lax.dot_general(
        xv, w1_ref[0], (((1,), (1,)), ((), ())),
        preferred_element_type=jnp.float32)
    u = jax.lax.dot_general(
        xv, w3_ref[0], (((1,), (1,)), ((), ())),
        preferred_element_type=jnp.float32)
    h = (g * jax.nn.sigmoid(g)) * u * wts_ref[0, k]
    out_ref[...] += jax.lax.dot_general(
        h, w2_ref[0], (((1,), (1,)), ((), ())),
        preferred_element_type=jnp.float32)


def _w1_map(k, f, idx_ref, wts_ref):
    return (idx_ref[0, k], f, 0)


def _w2_map(k, f, idx_ref, wts_ref):
    return (idx_ref[0, k], 0, f)


@jax.jit
def _run(x, gate_weight, bias, w1, w2, w3, shared_w1, shared_w2, shared_w3):
    xf = x.reshape(1, _D_MODEL)

    idx, wts = _sc_router(x.reshape(_D_MODEL), gate_weight, bias)
    idx = idx.reshape(1, _L)
    wts = wts.reshape(1, _L)

    shared_out = pl.pallas_call(
        _shared_body,
        grid=(_S_STEPS,),
        in_specs=[
            pl.BlockSpec((1, _D_MODEL), lambda s: (0, 0)),
            pl.BlockSpec((_S_BLOCK, _D_MODEL), lambda s: (s, 0)),
            pl.BlockSpec((_S_BLOCK, _D_MODEL), lambda s: (s, 0)),
            pl.BlockSpec((_D_MODEL, _S_BLOCK), lambda s: (0, s)),
        ],
        out_specs=pl.BlockSpec((1, _D_MODEL), lambda s: (0, 0)),
        out_shape=jax.ShapeDtypeStruct((1, _D_MODEL), jnp.float32),
    )(xf, shared_w1, shared_w3, shared_w2)

    out = pl.pallas_call(
        _routed_body,
        grid_spec=pltpu.PrefetchScalarGridSpec(
            num_scalar_prefetch=2,
            grid=(_TOP_K, _F_BLOCKS),
            in_specs=[
                pl.BlockSpec((1, _D_MODEL), lambda k, f, i, w: (0, 0)),
                pl.BlockSpec((1, _D_MODEL), lambda k, f, i, w: (0, 0)),
                pl.BlockSpec((1, _F_BLOCK, _D_MODEL), _w1_map),
                pl.BlockSpec((1, _F_BLOCK, _D_MODEL), _w1_map),
                pl.BlockSpec((1, _D_MODEL, _F_BLOCK), _w2_map),
            ],
            out_specs=pl.BlockSpec((1, _D_MODEL), lambda k, f, i, w: (0, 0)),
        ),
        out_shape=jax.ShapeDtypeStruct((1, _D_MODEL), jnp.float32),
    )(idx, wts, xf, shared_out, w1, w3, w2)

    return out.reshape(1, 1, 1, _D_MODEL)


def kernel(x, gate_weight, bias, w1, w2, w3, shared_w1, shared_w2, shared_w3):
    return _run(x, gate_weight, bias, w1, w2, w3,
                shared_w1, shared_w2, shared_w3)

# --- scband reference (transcript-rebuilt; emitter-appended) ---
"""Pipeline reference for scband-solar-mo-ereference-10840497455878 (READ-ONLY COPY).

The authoritative reference and input builder live on the scoring server;
editing this copy changes nothing except your own understanding.
"""

import jax, jax.numpy as jnp
import numpy as np

NUM_EXPERTS = 16
TOP_K = 8
D_MODEL = 2048
D_FF = 1024
SHARED_D_FF = 2048
ROUTED_SCALING_FACTOR = 2.5


def setup_inputs(seed: int = 0) -> dict:
    key = jax.random.key(seed)
    ks = jax.random.split(key, 9)
    s = 0.02
    return {
        "x": jax.random.normal(ks[0], (1, 1, 1, D_MODEL), dtype=jnp.float32),
        "gate_weight": jax.random.normal(ks[1], (NUM_EXPERTS, D_MODEL), dtype=jnp.float32) * s,
        "bias": jax.random.normal(ks[2], (NUM_EXPERTS,), dtype=jnp.float32) * s,
        "w1": jax.random.normal(ks[3], (NUM_EXPERTS, D_FF, D_MODEL), dtype=jnp.float32) * s,
        "w2": jax.random.normal(ks[4], (NUM_EXPERTS, D_MODEL, D_FF), dtype=jnp.float32) * s,
        "w3": jax.random.normal(ks[5], (NUM_EXPERTS, D_FF, D_MODEL), dtype=jnp.float32) * s,
        "shared_w1": jax.random.normal(ks[6], (SHARED_D_FF, D_MODEL), dtype=jnp.float32) * s,
        "shared_w2": jax.random.normal(ks[7], (D_MODEL, SHARED_D_FF), dtype=jnp.float32) * s,
        "shared_w3": jax.random.normal(ks[8], (SHARED_D_FF, D_MODEL), dtype=jnp.float32) * s,
    }


def reference(x, gate_weight, bias, w1, w2, w3, shared_w1, shared_w2, shared_w3):
    xf = x.reshape(-1)  # [D]
    # gate
    logits = gate_weight @ xf  # [E]
    scores = jax.nn.sigmoid(logits)
    biased = scores + bias
    _, idx = jax.lax.top_k(biased, TOP_K)  # [K]
    sel = jnp.take(scores, idx)  # gather selected (unbiased) scores
    normalized = sel / (jnp.sum(sel) + 1e-20)
    weights = normalized * ROUTED_SCALING_FACTOR  # [K]
    # routed experts: gather weight slices then SwiGLU per expert
    ew1 = jnp.take(w1, idx, axis=0)  # [K, F, D]
    ew2 = jnp.take(w2, idx, axis=0)  # [K, D, F]
    ew3 = jnp.take(w3, idx, axis=0)  # [K, F, D]
    gate = jax.nn.silu(jnp.einsum('d,kfd->kf', xf, ew1))
    up = jnp.einsum('d,kfd->kf', xf, ew3)
    expert_out = jnp.einsum('kf,kdf->kd', gate * up, ew2)  # [K, D]
    routed = jnp.sum(weights[:, None] * expert_out, axis=0)  # [D]
    # shared expert
    sgate = jax.nn.silu(shared_w1 @ xf)
    sup = shared_w3 @ xf
    shared = shared_w2 @ (sgate * sup)  # [D]
    return (routed + shared).reshape(1, 1, 1, D_MODEL)

if __name__ == "__main__":
    import jax
    _d = setup_inputs()
    print(jax.jit(kernel)(*tuple(_d.values())))

</pallas_src>

<mosaic_0001>
#map = affine_map<(d0, d1) -> (0)>
#map1 = affine_map<(d0, d1) -> (0, 0)>
module attributes {stable_mosaic.version = 14 : i64} {
  func.func @_sc_router_body(%arg0: i32, %arg1: i32, %arg2: memref<2048xf32, #tpu.memory_space<hbm>>, %arg3: memref<16x2048xf32, #tpu.memory_space<hbm>>, %arg4: memref<16xf32, #tpu.memory_space<hbm>>, %arg5: memref<16xi32, #tpu.memory_space<hbm>>, %arg6: memref<16xf32, #tpu.memory_space<hbm>>, %arg7: memref<2048xf32, #tpu.memory_space<vmem>>, %arg8: memref<2048xf32, #tpu.memory_space<vmem>>, %arg9: memref<16xf32, #tpu.memory_space<vmem>>, %arg10: memref<16xf32, #tpu.memory_space<vmem>>, %arg11: memref<16x16xf32, #tpu.memory_space<vmem>>, %arg12: memref<16xi32, #tpu.memory_space<vmem>>, %arg13: memref<16xf32, #tpu.memory_space<vmem>>, %arg14: memref<16x16xf32, #tpu.memory_space<vmem_shared>>) attributes {dimension_semantics = [#tpu.dimension_semantics<core_parallel>, #tpu.dimension_semantics<subcore_parallel>], iteration_bounds = array<i64: 2, 16>, scalar_prefetch = 0 : i64, scratch_operands = 8 : i64, tpu.core_type = #tpu.core_type<sc_vector_subcore>, window_params = [{transform_indices = #map}, {transform_indices = #map1}, {transform_indices = #map}, {transform_indices = #map}, {transform_indices = #map}]} {
    %iota3A = tpu.iota {dimensions = array<i32: 0>} : vector<16xi32>
    %eq3A = arith.constant 0 : i32
    %eq3A_0 = arith.cmpi eq, %arg0, %eq3A : i32
    %convert_element_type3A = arith.extui %eq3A_0 : i1 to i32
    %cond3A = arith.constant 0 : i32
    %cond3A_1 = arith.cmpi ne, %convert_element_type3A, %cond3A : i32
    scf.if %cond3A_1 {
      "tpu.region"() ({
        %run_scoped3A = tpu.sem_alloc : memref<!tpu.dma_semaphore, #tpu.memory_space<semaphore_mem>>
        %dma_start3A = arith.constant 0 : i32
        %dma_start3A_41 = tpu.memref_slice %arg3[%arg1, %dma_start3A] : memref<16x2048xf32, #tpu.memory_space<hbm>> -> memref<1x2048xf32, #tpu.memory_space<hbm>>
        %dma_start3A_42 = tpu.memref_squeeze %dma_start3A_41 : memref<1x2048xf32, #tpu.memory_space<hbm>> -> memref<2048xf32, #tpu.memory_space<hbm>>
        %dma_start3A_43 = arith.constant 0 : i32
        %dma_start3A_44 = tpu.memref_slice %arg3[%arg1, %dma_start3A_43] : memref<16x2048xf32, #tpu.memory_space<hbm>> -> memref<1x2048xf32, #tpu.memory_space<hbm>>
        %dma_start3A_45 = tpu.memref_squeeze %dma_start3A_44 : memref<1x2048xf32, #tpu.memory_space<hbm>> -> memref<2048xf32, #tpu.memory_space<hbm>>
        tpu.enqueue_dma source(%dma_start3A_45 : memref<2048xf32, #tpu.memory_space<hbm>>) target(%arg7 : memref<2048xf32, #tpu.memory_space<vmem>>) target_semaphore(%run_scoped3A : memref<!tpu.dma_semaphore, #tpu.memory_space<semaphore_mem>>)
        %dma_wait3A = arith.constant 0 : i32
        %dma_wait3A_46 = tpu.memref_slice %arg3[%arg1, %dma_wait3A] : memref<16x2048xf32, #tpu.memory_space<hbm>> -> memref<1x2048xf32, #tpu.memory_space<hbm>>
        %dma_wait3A_47 = tpu.memref_squeeze %dma_wait3A_46 : memref<1x2048xf32, #tpu.memory_space<hbm>> -> memref<2048xf32, #tpu.memory_space<hbm>>
        %dma_wait3A_48 = arith.constant 0 : i32
        %dma_wait3A_49 = tpu.memref_slice %arg3[%arg1, %dma_wait3A_48] : memref<16x2048xf32, #tpu.memory_space<hbm>> -> memref<1x2048xf32, #tpu.memory_space<hbm>>
        %dma_wait3A_50 = tpu.memref_squeeze %dma_wait3A_49 : memref<1x2048xf32, #tpu.memory_space<hbm>> -> memref<2048xf32, #tpu.memory_space<hbm>>
        tpu.wait_dma2 semaphore(%run_scoped3A : memref<!tpu.dma_semaphore, #tpu.memory_space<semaphore_mem>>) src(%dma_wait3A_50 : memref<2048xf32, #tpu.memory_space<hbm>>) dst(%arg7 : memref<2048xf32, #tpu.memory_space<vmem>>)
        tpu.yield
      }) : () -> ()
      "tpu.region"() ({
        %run_scoped3A = tpu.sem_alloc : memref<!tpu.dma_semaphore, #tpu.memory_space<semaphore_mem>>
        tpu.enqueue_dma source(%arg2 : memref<2048xf32, #tpu.memory_space<hbm>>) target(%arg8 : memref<2048xf32, #tpu.memory_space<vmem>>) target_semaphore(%run_scoped3A : memref<!tpu.dma_semaphore, #tpu.memory_space<semaphore_mem>>)
        tpu.wait_dma2 semaphore(%run_scoped3A : memref<!tpu.dma_semaphore, #tpu.memory_space<semaphore_mem>>) src(%arg2 : memref<2048xf32, #tpu.memory_space<hbm>>) dst(%arg8 : memref<2048xf32, #tpu.memory_space<vmem>>)
        tpu.yield
      }) : () -> ()
      %broadcast_in_dim3A = arith.constant 0.000000e+00 : f32
      %broadcast_in_dim3A_2 = vector.broadcast %broadcast_in_dim3A : f32 to vector<16xf32>
      %scan3A = arith.constant 0 : i32
      %scan3A_3 = arith.constant 128 : i32
      %scan3A_4 = arith.addi %scan3A, %scan3A_3 : i32
      %scan3A_5 = arith.constant 1 : i32
      %scan3A_6 = scf.for %scan3A_41 = %scan3A to %scan3A_4 step %scan3A_5 iter_args(%scan3A_42 = %broadcast_in_dim3A_2) -> (vector<16xf32>)  : i32 {
        %mul3A = arith.constant 16 : i32
        %mul3A_43 = arith.muli %scan3A_41, %mul3A : i32
        %get3A = arith.index_cast %mul3A_43 : i32 to index
        %get3A_44 = tpu.vector_load %arg7[%get3A] {strides = array<i32>} : memref<2048xf32, #tpu.memory_space<vmem>>, vector<16xf32>,
        %get3A_45 = vector.shape_cast %get3A_44 : vector<16xf32> to vector<16xf32>
        %mul3A_46 = arith.constant 16 : i32
        %mul3A_47 = arith.muli %scan3A_41, %mul3A_46 : i32
        %get3A_48 = arith.index_cast %mul3A_47 : i32 to index
        %get3A_49 = tpu.vector_load %arg8[%get3A_48] {strides = array<i32>} : memref<2048xf32, #tpu.memory_space<vmem>>, vector<16xf32>,
        %get3A_50 = vector.shape_cast %get3A_49 : vector<16xf32> to vector<16xf32>
        %mul3A_51 = arith.mulf %get3A_45, %get3A_50 : vector<16xf32>
        %add3A_52 = arith.addf %scan3A_42, %mul3A_51 : vector<16xf32>
        scf.yield %add3A_52 : vector<16xf32>
      }
      %scan3A_7 = arith.constant 128 : i32
      %xor3A = arith.constant 1 : i32
      %xor3A_8 = vector.broadcast %xor3A : i32 to vector<16xi32>
      %xor3A_9 = arith.xori %iota3A, %xor3A_8 : vector<16xi32>
      %broadcast_in_dim3A_10 = vector.shape_cast %xor3A_9 : vector<16xi32> to vector<16x1xi32>
      %gather3A = vector.shape_cast %broadcast_in_dim3A_10 : vector<16x1xi32> to vector<16xi32>
      %gather3A_11 = tpu.dynamic_gather %scan3A_6[%gather3A] in [0] : vector<16xf32>, vector<16xi32> -> vector<16xf32>
      %add3A = arith.addf %scan3A_6, %gather3A_11 : vector<16xf32>
      %xor3A_12 = arith.constant 2 : i32
      %xor3A_13 = vector.broadcast %xor3A_12 : i32 to vector<16xi32>
      %xor3A_14 = arith.xori %iota3A, %xor3A_13 : vector<16xi32>
      %broadcast_in_dim3A_15 = vector.shape_cast %xor3A_14 : vector<16xi32> to vector<16x1xi32>
      %gather3A_16 = vector.shape_cast %broadcast_in_dim3A_15 : vector<16x1xi32> to vector<16xi32>
      %gather3A_17 = tpu.dynamic_gather %add3A[%gather3A_16] in [0] : vector<16xf32>, vector<16xi32> -> vector<16xf32>
      %add3A_18 = arith.addf %add3A, %gather3A_17 : vector<16xf32>
      %xor3A_19 = arith.constant 4 : i32
      %xor3A_20 = vector.broadcast %xor3A_19 : i32 to vector<16xi32>
      %xor3A_21 = arith.xori %iota3A, %xor3A_20 : vector<16xi32>
      %broadcast_in_dim3A_22 = vector.shape_cast %xor3A_21 : vector<16xi32> to vector<16x1xi32>
      %gather3A_23 = vector.shape_cast %broadcast_in_dim3A_22 : vector<16x1xi32> to vector<16xi32>
      %gather3A_24 = tpu.dynamic_gather %add3A_18[%gather3A_23] in [0] : vector<16xf32>, vector<16xi32> -> vector<16xf32>
      %add3A_25 = arith.addf %add3A_18, %gather3A_24 : vector<16xf32>
      %xor3A_26 = arith.constant 8 : i32
      %xor3A_27 = vector.broadcast %xor3A_26 : i32 to vector<16xi32>
      %xor3A_28 = arith.xori %iota3A, %xor3A_27 : vector<16xi32>
      %broadcast_in_dim3A_29 = vector.shape_cast %xor3A_28 : vector<16xi32> to vector<16x1xi32>
      %gather3A_30 = vector.shape_cast %broadcast_in_dim3A_29 : vector<16x1xi32> to vector<16xi32>
      %gather3A_31 = tpu.dynamic_gather %add3A_25[%gather3A_30] in [0] : vector<16xf32>, vector<16xi32> -> vector<16xf32>
      %add3A_32 = arith.addf %add3A_25, %gather3A_31 : vector<16xf32>
      %swap3A = arith.constant 0 : index
      %swap3A_33 = tpu.vector_load %arg10[%swap3A] {strides = array<i32>} : memref<16xf32, #tpu.memory_space<vmem>>, vector<16xf32>,
      %swap3A_34 = vector.shape_cast %swap3A_33 : vector<16xf32> to vector<16xf32>
      %swap3A_35 = vector.shape_cast %add3A_32 : vector<16xf32> to vector<16xf32>
      tpu.vector_store %arg10[%swap3A], %swap3A_35 {strides = array<i32>} : memref<16xf32, #tpu.memory_space<vmem>>, vector<16xf32>,
      "tpu.region"() ({
        %run_scoped3A = tpu.sem_alloc : memref<!tpu.dma_semaphore, #tpu.memory_space<semaphore_mem>>
        %dma_start3A = arith.constant 0 : i32
        %dma_start3A_41 = tpu.memref_slice %arg14[%arg1, %dma_start3A] : memref<16x16xf32, #tpu.memory_space<vmem_shared>> -> memref<1x16xf32, #tpu.memory_space<vmem_shared>>
        %dma_start3A_42 = tpu.memref_squeeze %dma_start3A_41 : memref<1x16xf32, #tpu.memory_space<vmem_shared>> -> memref<16xf32, #tpu.memory_space<vmem_shared>>
        %dma_start3A_43 = arith.constant 0 : i32
        %dma_start3A_44 = tpu.memref_slice %arg14[%arg1, %dma_start3A_43] : memref<16x16xf32, #tpu.memory_space<vmem_shared>> -> memref<1x16xf32, #tpu.memory_space<vmem_shared>>
        %dma_start3A_45 = tpu.memref_squeeze %dma_start3A_44 : memref<1x16xf32, #tpu.memory_space<vmem_shared>> -> memref<16xf32, #tpu.memory_space<vmem_shared>>
        tpu.enqueue_dma source(%arg10 : memref<16xf32, #tpu.memory_space<vmem>>) target(%dma_start3A_45 : memref<16xf32, #tpu.memory_space<vmem_shared>>) target_semaphore(%run_scoped3A : memref<!tpu.dma_semaphore, #tpu.memory_space<semaphore_mem>>)
        %dma_wait3A = arith.constant 0 : i32
        %dma_wait3A_46 = tpu.memref_slice %arg14[%arg1, %dma_wait3A] : memref<16x16xf32, #tpu.memory_space<vmem_shared>> -> memref<1x16xf32, #tpu.memory_space<vmem_shared>>
        %dma_wait3A_47 = tpu.memref_squeeze %dma_wait3A_46 : memref<1x16xf32, #tpu.memory_space<vmem_shared>> -> memref<16xf32, #tpu.memory_space<vmem_shared>>
        %dma_wait3A_48 = arith.constant 0 : i32
        %dma_wait3A_49 = tpu.memref_slice %arg14[%arg1, %dma_wait3A_48] : memref<16x16xf32, #tpu.memory_space<vmem_shared>> -> memref<1x16xf32, #tpu.memory_space<vmem_shared>>
        %dma_wait3A_50 = tpu.memref_squeeze %dma_wait3A_49 : memref<1x16xf32, #tpu.memory_space<vmem_shared>> -> memref<16xf32, #tpu.memory_space<vmem_shared>>
        tpu.wait_dma2 semaphore(%run_scoped3A : memref<!tpu.dma_semaphore, #tpu.memory_space<semaphore_mem>>) src(%arg10 : memref<16xf32, #tpu.memory_space<vmem>>) dst(%dma_wait3A_50 : memref<16xf32, #tpu.memory_space<vmem_shared>>)
        tpu.yield
      }) : () -> ()
      %barrier3A = arith.constant 0 : index
      tpu.barrier barrier_id(%barrier3A)
      %eq3A_36 = arith.constant 0 : i32
      %eq3A_37 = arith.cmpi eq, %arg1, %eq3A_36 : i32
      %convert_element_type3A_38 = arith.extui %eq3A_37 : i1 to i32
      %cond3A_39 = arith.constant 0 : i32
      %cond3A_40 = arith.cmpi ne, %convert_element_type3A_38, %cond3A_39 : i32
      scf.if %cond3A_40 {
        "tpu.region"() ({
          %run_scoped3A = tpu.sem_alloc : memref<!tpu.dma_semaphore, #tpu.memory_space<semaphore_mem>>
          tpu.enqueue_dma source(%arg14 : memref<16x16xf32, #tpu.memory_space<vmem_shared>>) target(%arg11 : memref<16x16xf32, #tpu.memory_space<vmem>>) target_semaphore(%run_scoped3A : memref<!tpu.dma_semaphore, #tpu.memory_space<semaphore_mem>>)
          tpu.wait_dma2 semaphore(%run_scoped3A : memref<!tpu.dma_semaphore, #tpu.memory_space<semaphore_mem>>) src(%arg14 : memref<16x16xf32, #tpu.memory_space<vmem_shared>>) dst(%arg11 : memref<16x16xf32, #tpu.memory_space<vmem>>)
          tpu.yield
        }) : () -> ()
        "tpu.region"() ({
          %run_scoped3A = tpu.sem_alloc : memref<!tpu.dma_semaphore, #tpu.memory_space<semaphore_mem>>
          tpu.enqueue_dma source(%arg4 : memref<16xf32, #tpu.memory_space<hbm>>) target(%arg9 : memref<16xf32, #tpu.memory_space<vmem>>) target_semaphore(%run_scoped3A : memref<!tpu.dma_semaphore, #tpu.memory_space<semaphore_mem>>)
          tpu.wait_dma2 semaphore(%run_scoped3A : memref<!tpu.dma_semaphore, #tpu.memory_space<semaphore_mem>>) src(%arg4 : memref<16xf32, #tpu.memory_space<hbm>>) dst(%arg9 : memref<16xf32, #tpu.memory_space<vmem>>)
          tpu.yield
        }) : () -> ()
        %broadcast_in_dim3A_41 = arith.constant 0.000000e+00 : f32
        %broadcast_in_dim3A_42 = vector.broadcast %broadcast_in_dim3A_41 : f32 to vector<16xf32>
        %eq3A_43 = arith.constant 0 : i32
        %eq3A_44 = vector.broadcast %eq3A_43 : i32 to vector<16xi32>
        %eq3A_45 = arith.cmpi eq, %iota3A, %eq3A_44 : vector<16xi32>
        %get3A = arith.constant 0 : i32
        %get3A_46 = arith.index_cast %get3A : i32 to index
        %get3A_47 = arith.constant 0 : index
        %get3A_48 = tpu.vector_load %arg11[%get3A_46, %get3A_47] {strides = array<i32>} : memref<16x16xf32, #tpu.memory_space<vmem>>, vector<1x16xf32>,
        %get3A_49 = vector.shape_cast %get3A_48 : vector<1x16xf32> to vector<16xf32>
        %select_n3A = arith.select %eq3A_45, %get3A_49, %broadcast_in_dim3A_42 : vector<16xi1>, vector<16xf32>
        %eq3A_50 = arith.constant 1 : i32
        %eq3A_51 = vector.broadcast %eq3A_50 : i32 to vector<16xi32>
        %eq3A_52 = arith.cmpi eq, %iota3A, %eq3A_51 : vector<16xi32>
        %get3A_53 = arith.constant 1 : i32
        %get3A_54 = arith.index_cast %get3A_53 : i32 to index
        %get3A_55 = arith.constant 0 : index
        %get3A_56 = tpu.vector_load %arg11[%get3A_54, %get3A_55] {strides = array<i32>} : memref<16x16xf32, #tpu.memory_space<vmem>>, vector<1x16xf32>,
        %get3A_57 = vector.shape_cast %get3A_56 : vector<1x16xf32> to vector<16xf32>
        %select_n3A_58 = arith.select %eq3A_52, %get3A_57, %select_n3A : vector<16xi1>, vector<16xf32>
        %eq3A_59 = arith.constant 2 : i32
        %eq3A_60 = vector.broadcast %eq3A_59 : i32 to vector<16xi32>
        %eq3A_61 = arith.cmpi eq, %iota3A, %eq3A_60 : vector<16xi32>
        %get3A_62 = arith.constant 2 : i32
        %get3A_63 = arith.index_cast %get3A_62 : i32 to index
        %get3A_64 = arith.constant 0 : index
        %get3A_65 = tpu.vector_load %arg11[%get3A_63, %get3A_64] {strides = array<i32>} : memref<16x16xf32, #tpu.memory_space<vmem>>, vector<1x16xf32>,
        %get3A_66 = vector.shape_cast %get3A_65 : vector<1x16xf32> to vector<16xf32>
        %select_n3A_67 = arith.select %eq3A_61, %get3A_66, %select_n3A_58 : vector<16xi1>, vector<16xf32>
        %eq3A_68 = arith.constant 3 : i32
        %eq3A_69 = vector.broadcast %eq3A_68 : i32 to vector<16xi32>
        %eq3A_70 = arith.cmpi eq, %iota3A, %eq3A_69 : vector<16xi32>
        %get3A_71 = arith.constant 3 : i32
        %get3A_72 = arith.index_cast %get3A_71 : i32 to index
        %get3A_73 = arith.constant 0 : index
        %get3A_74 = tpu.vector_load %arg11[%get3A_72, %get3A_73] {strides = array<i32>} : memref<16x16xf32, #tpu.memory_space<vmem>>, vector<1x16xf32>,
        %get3A_75 = vector.shape_cast %get3A_74 : vector<1x16xf32> to vector<16xf32>
        %select_n3A_76 = arith.select %eq3A_70, %get3A_75, %select_n3A_67 : vector<16xi1>, vector<16xf32>
        %eq3A_77 = arith.constant 4 : i32
        %eq3A_78 = vector.broadcast %eq3A_77 : i32 to vector<16xi32>
        %eq3A_79 = arith.cmpi eq, %iota3A, %eq3A_78 : vector<16xi32>
        %get3A_80 = arith.constant 4 : i32
        %get3A_81 = arith.index_cast %get3A_80 : i32 to index
        %get3A_82 = arith.constant 0 : index
        %get3A_83 = tpu.vector_load %arg11[%get3A_81, %get3A_82] {strides = array<i32>} : memref<16x16xf32, #tpu.memory_space<vmem>>, vector<1x16xf32>,
        %get3A_84 = vector.shape_cast %get3A_83 : vector<1x16xf32> to vector<16xf32>
        %select_n3A_85 = arith.select %eq3A_79, %get3A_84, %select_n3A_76 : vector<16xi1>, vector<16xf32>
        %eq3A_86 = arith.constant 5 : i32
        %eq3A_87 = vector.broadcast %eq3A_86 : i32 to vector<16xi32>
        %eq3A_88 = arith.cmpi eq, %iota3A, %eq3A_87 : vector<16xi32>
        %get3A_89 = arith.constant 5 : i32
        %get3A_90 = arith.index_cast %get3A_89 : i32 to index
        %get3A_91 = arith.constant 0 : index
        %get3A_92 = tpu.vector_load %arg11[%get3A_90, %get3A_91] {strides = array<i32>} : memref<16x16xf32, #tpu.memory_space<vmem>>, vector<1x16xf32>,
        %get3A_93 = vector.shape_cast %get3A_92 : vector<1x16xf32> to vector<16xf32>
        %select_n3A_94 = arith.select %eq3A_88, %get3A_93, %select_n3A_85 : vector<16xi1>, vector<16xf32>
        %eq3A_95 = arith.constant 6 : i32
        %eq3A_96 = vector.broadcast %eq3A_95 : i32 to vector<16xi32>
        %eq3A_97 = arith.cmpi eq, %iota3A, %eq3A_96 : vector<16xi32>
        %get3A_98 = arith.constant 6 : i32
        %get3A_99 = arith.index_cast %get3A_98 : i32 to index
        %get3A_100 = arith.constant 0 : index
        %get3A_101 = tpu.vector_load %arg11[%get3A_99, %get3A_100] {strides = array<i32>} : memref<16x16xf32, #tpu.memory_space<vmem>>, vector<1x16xf32>,
        %get3A_102 = vector.shape_cast %get3A_101 : vector<1x16xf32> to vector<16xf32>
        %select_n3A_103 = arith.select %eq3A_97, %get3A_102, %select_n3A_94 : vector<16xi1>, vector<16xf32>
        %eq3A_104 = arith.constant 7 : i32
        %eq3A_105 = vector.broadcast %eq3A_104 : i32 to vector<16xi32>
        %eq3A_106 = arith.cmpi eq, %iota3A, %eq3A_105 : vector<16xi32>
        %get3A_107 = arith.constant 7 : i32
        %get3A_108 = arith.index_cast %get3A_107 : i32 to index
        %get3A_109 = arith.constant 0 : index
        %get3A_110 = tpu.vector_load %arg11[%get3A_108, %get3A_109] {strides = array<i32>} : memref<16x16xf32, #tpu.memory_space<vmem>>, vector<1x16xf32>,
        %get3A_111 = vector.shape_cast %get3A_110 : vector<1x16xf32> to vector<16xf32>
        %select_n3A_112 = arith.select %eq3A_106, %get3A_111, %select_n3A_103 : vector<16xi1>, vector<16xf32>
        %eq3A_113 = arith.constant 8 : i32
        %eq3A_114 = vector.broadcast %eq3A_113 : i32 to vector<16xi32>
        %eq3A_115 = arith.cmpi eq, %iota3A, %eq3A_114 : vector<16xi32>
        %get3A_116 = arith.constant 8 : i32
        %get3A_117 = arith.index_cast %get3A_116 : i32 to index
        %get3A_118 = arith.constant 0 : index
        %get3A_119 = tpu.vector_load %arg11[%get3A_117, %get3A_118] {strides = array<i32>} : memref<16x16xf32, #tpu.memory_space<vmem>>, vector<1x16xf32>,
        %get3A_120 = vector.shape_cast %get3A_119 : vector<1x16xf32> to vector<16xf32>
        %select_n3A_121 = arith.select %eq3A_115, %get3A_120, %select_n3A_112 : vector<16xi1>, vector<16xf32>
        %eq3A_122 = arith.constant 9 : i32
        %eq3A_123 = vector.broadcast %eq3A_122 : i32 to vector<16xi32>
        %eq3A_124 = arith.cmpi eq, %iota3A, %eq3A_123 : vector<16xi32>
        %get3A_125 = arith.constant 9 : i32
        %get3A_126 = arith.index_cast %get3A_125 : i32 to index
        %get3A_127 = arith.constant 0 : index
        %get3A_128 = tpu.vector_load %arg11[%get3A_126, %get3A_127] {strides = array<i32>} : memref<16x16xf32, #tpu.memory_space<vmem>>, vector<1x16xf32>,
        %get3A_129 = vector.shape_cast %get3A_128 : vector<1x16xf32> to vector<16xf32>
        %select_n3A_130 = arith.select %eq3A_124, %get3A_129, %select_n3A_121 : vector<16xi1>, vector<16xf32>
        %eq3A_131 = arith.constant 10 : i32
        %eq3A_132 = vector.broadcast %eq3A_131 : i32 to vector<16xi32>
        %eq3A_133 = arith.cmpi eq, %iota3A, %eq3A_132 : vector<16xi32>
        %get3A_134 = arith.constant 10 : i32
        %get3A_135 = arith.index_cast %get3A_134 : i32 to index
        %get3A_136 = arith.constant 0 : index
        %get3A_137 = tpu.vector_load %arg11[%get3A_135, %get3A_136] {strides = array<i32>} : memref<16x16xf32, #tpu.memory_space<vmem>>, vector<1x16xf32>,
        %get3A_138 = vector.shape_cast %get3A_137 : vector<1x16xf32> to vector<16xf32>
        %select_n3A_139 = arith.select %eq3A_133, %get3A_138, %select_n3A_130 : vector<16xi1>, vector<16xf32>
        %eq3A_140 = arith.constant 11 : i32
        %eq3A_141 = vector.broadcast %eq3A_140 : i32 to vector<16xi32>
        %eq3A_142 = arith.cmpi eq, %iota3A, %eq3A_141 : vector<16xi32>
        %get3A_143 = arith.constant 11 : i32
        %get3A_144 = arith.index_cast %get3A_143 : i32 to index
        %get3A_145 = arith.constant 0 : index
        %get3A_146 = tpu.vector_load %arg11[%get3A_144, %get3A_145] {strides = array<i32>} : memref<16x16xf32, #tpu.memory_space<vmem>>, vector<1x16xf32>,
        %get3A_147 = vector.shape_cast %get3A_146 : vector<1x16xf32> to vector<16xf32>
        %select_n3A_148 = arith.select %eq3A_142, %get3A_147, %select_n3A_139 : vector<16xi1>, vector<16xf32>
        %eq3A_149 = arith.constant 12 : i32
        %eq3A_150 = vector.broadcast %eq3A_149 : i32 to vector<16xi32>
        %eq3A_151 = arith.cmpi eq, %iota3A, %eq3A_150 : vector<16xi32>
        %get3A_152 = arith.constant 12 : i32
        %get3A_153 = arith.index_cast %get3A_152 : i32 to index
        %get3A_154 = arith.constant 0 : index
        %get3A_155 = tpu.vector_load %arg11[%get3A_153, %get3A_154] {strides = array<i32>} : memref<16x16xf32, #tpu.memory_space<vmem>>, vector<1x16xf32>,
        %get3A_156 = vector.shape_cast %get3A_155 : vector<1x16xf32> to vector<16xf32>
        %select_n3A_157 = arith.select %eq3A_151, %get3A_156, %select_n3A_148 : vector<16xi1>, vector<16xf32>
        %eq3A_158 = arith.constant 13 : i32
        %eq3A_159 = vector.broadcast %eq3A_158 : i32 to vector<16xi32>
        %eq3A_160 = arith.cmpi eq, %iota3A, %eq3A_159 : vector<16xi32>
        %get3A_161 = arith.constant 13 : i32
        %get3A_162 = arith.index_cast %get3A_161 : i32 to index
        %get3A_163 = arith.constant 0 : index
        %get3A_164 = tpu.vector_load %arg11[%get3A_162, %get3A_163] {strides = array<i32>} : memref<16x16xf32, #tpu.memory_space<vmem>>, vector<1x16xf32>,
        %get3A_165 = vector.shape_cast %get3A_164 : vector<1x16xf32> to vector<16xf32>
        %select_n3A_166 = arith.select %eq3A_160, %get3A_165, %select_n3A_157 : vector<16xi1>, vector<16xf32>
        %eq3A_167 = arith.constant 14 : i32
        %eq3A_168 = vector.broadcast %eq3A_167 : i32 to vector<16xi32>
        %eq3A_169 = arith.cmpi eq, %iota3A, %eq3A_168 : vector<16xi32>
        %get3A_170 = arith.constant 14 : i32
        %get3A_171 = arith.index_cast %get3A_170 : i32 to index
        %get3A_172 = arith.constant 0 : index
        %get3A_173 = tpu.vector_load %arg11[%get3A_171, %get3A_172] {strides = array<i32>} : memref<16x16xf32, #tpu.memory_space<vmem>>, vector<1x16xf32>,
        %get3A_174 = vector.shape_cast %get3A_173 : vector<1x16xf32> to vector<16xf32>
        %select_n3A_175 = arith.select %eq3A_169, %get3A_174, %select_n3A_166 : vector<16xi1>, vector<16xf32>
        %eq3A_176 = arith.constant 15 : i32
        %eq3A_177 = vector.broadcast %eq3A_176 : i32 to vector<16xi32>
        %eq3A_178 = arith.cmpi eq, %iota3A, %eq3A_177 : vector<16xi32>
        %get3A_179 = arith.constant 15 : i32
        %get3A_180 = arith.index_cast %get3A_179 : i32 to index
        %get3A_181 = arith.constant 0 : index
        %get3A_182 = tpu.vector_load %arg11[%get3A_180, %get3A_181] {strides = array<i32>} : memref<16x16xf32, #tpu.memory_space<vmem>>, vector<1x16xf32>,
        %get3A_183 = vector.shape_cast %get3A_182 : vector<1x16xf32> to vector<16xf32>
        %select_n3A_184 = arith.select %eq3A_178, %get3A_183, %select_n3A_175 : vector<16xi1>, vector<16xf32>
        %neg3A = arith.constant 0.000000e+00 : f32
        %neg3A_185 = vector.broadcast %neg3A : f32 to vector<16xf32>
        %neg3A_186 = arith.subf %neg3A_185, %select_n3A_184 : vector<16xf32>
        %exp3A = math.exp %neg3A_186 : vector<16xf32>
        %add3A_187 = arith.constant 1.000000e+00 : f32
        %add3A_188 = vector.broadcast %add3A_187 : f32 to vector<16xf32>
        %add3A_189 = arith.addf %add3A_188, %exp3A : vector<16xf32>
        %div3A = arith.constant 1.000000e+00 : f32
        %div3A_190 = vector.broadcast %div3A : f32 to vector<16xf32>
        %div3A_191 = arith.divf %div3A_190, %add3A_189 : vector<16xf32>
        %get3A_192 = arith.constant 0 : index
        %get3A_193 = tpu.vector_load %arg9[%get3A_192] {strides = array<i32>} : memref<16xf32, #tpu.memory_space<vmem>>, vector<16xf32>,
        %get3A_194 = vector.shape_cast %get3A_193 : vector<16xf32> to vector<16xf32>
        %add3A_195 = arith.addf %div3A_191, %get3A_194 : vector<16xf32>
        %broadcast_in_dim3A_196 = arith.constant 0 : i32
        %broadcast_in_dim3A_197 = vector.broadcast %broadcast_in_dim3A_196 : i32 to vector<16xi32>
        %broadcast_in_dim3A_198 = arith.constant 0.000000e+00 : f32
        %broadcast_in_dim3A_199 = vector.broadcast %broadcast_in_dim3A_198 : f32 to vector<16xf32>
        %xor3A_200 = arith.constant 1 : i32
        %xor3A_201 = vector.broadcast %xor3A_200 : i32 to vector<16xi32>
        %xor3A_202 = arith.xori %iota3A, %xor3A_201 : vector<16xi32>
        %broadcast_in_dim3A_203 = vector.shape_cast %xor3A_202 : vector<16xi32> to vector<16x1xi32>
        %gather3A_204 = vector.shape_cast %broadcast_in_dim3A_203 : vector<16x1xi32> to vector<16xi32>
        %gather3A_205 = tpu.dynamic_gather %add3A_195[%gather3A_204] in [0] : vector<16xf32>, vector<16xi32> -> vector<16xf32>
        %max3A = arith.maximumf %add3A_195, %gather3A_205 : vector<16xf32>
        %xor3A_206 = arith.constant 2 : i32
        %xor3A_207 = vector.broadcast %xor3A_206 : i32 to vector<16xi32>
        %xor3A_208 = arith.xori %iota3A, %xor3A_207 : vector<16xi32>
        %broadcast_in_dim3A_209 = vector.shape_cast %xor3A_208 : vector<16xi32> to vector<16x1xi32>
        %gather3A_210 = vector.shape_cast %broadcast_in_dim3A_209 : vector<16x1xi32> to vector<16xi32>
        %gather3A_211 = tpu.dynamic_gather %max3A[%gather3A_210] in [0] : vector<16xf32>, vector<16xi32> -> vector<16xf32>
        %max3A_212 = arith.maximumf %max3A, %gather3A_211 : vector<16xf32>
        %xor3A_213 = arith.constant 4 : i32
        %xor3A_214 = vector.broadcast %xor3A_213 : i32 to vector<16xi32>
        %xor3A_215 = arith.xori %iota3A, %xor3A_214 : vector<16xi32>
        %broadcast_in_dim3A_216 = vector.shape_cast %xor3A_215 : vector<16xi32> to vector<16x1xi32>
        %gather3A_217 = vector.shape_cast %broadcast_in_dim3A_216 : vector<16x1xi32> to vector<16xi32>
        %gather3A_218 = tpu.dynamic_gather %max3A_212[%gather3A_217] in [0] : vector<16xf32>, vector<16xi32> -> vector<16xf32>
        %max3A_219 = arith.maximumf %max3A_212, %gather3A_218 : vector<16xf32>
        %xor3A_220 = arith.constant 8 : i32
        %xor3A_221 = vector.broadcast %xor3A_220 : i32 to vector<16xi32>
        %xor3A_222 = arith.xori %iota3A, %xor3A_221 : vector<16xi32>
        %broadcast_in_dim3A_223 = vector.shape_cast %xor3A_222 : vector<16xi32> to vector<16x1xi32>
        %gather3A_224 = vector.shape_cast %broadcast_in_dim3A_223 : vector<16x1xi32> to vector<16xi32>
        %gather3A_225 = tpu.dynamic_gather %max3A_219[%gather3A_224] in [0] : vector<16xf32>, vector<16xi32> -> vector<16xf32>
        %max3A_226 = arith.maximumf %max3A_219, %gather3A_225 : vector<16xf32>
        %eq3A_227 = arith.cmpf oeq, %add3A_195, %max3A_226 : vector<16xf32>
        %jit3A = arith.constant 16 : i32
        %broadcast_in_dim3A_228 = vector.broadcast %jit3A : i32 to vector<16xi32>
        %select_n3A_229 = arith.select %eq3A_227, %iota3A, %broadcast_in_dim3A_228 : vector<16xi1>, vector<16xi32>
        %xor3A_230 = arith.constant 1 : i32
        %xor3A_231 = vector.broadcast %xor3A_230 : i32 to vector<16xi32>
        %xor3A_232 = arith.xori %iota3A, %xor3A_231 : vector<16xi32>
        %broadcast_in_dim3A_233 = vector.shape_cast %xor3A_232 : vector<16xi32> to vector<16x1xi32>
        %gather3A_234 = vector.shape_cast %broadcast_in_dim3A_233 : vector<16x1xi32> to vector<16xi32>
        %gather3A_235 = tpu.dynamic_gather %select_n3A_229[%gather3A_234] in [0] : vector<16xi32>, vector<16xi32> -> vector<16xi32>
        %min3A = arith.minsi %select_n3A_229, %gather3A_235 : vector<16xi32>
        %xor3A_236 = arith.constant 2 : i32
        %xor3A_237 = vector.broadcast %xor3A_236 : i32 to vector<16xi32>
        %xor3A_238 = arith.xori %iota3A, %xor3A_237 : vector<16xi32>
        %broadcast_in_dim3A_239 = vector.shape_cast %xor3A_238 : vector<16xi32> to vector<16x1xi32>
        %gather3A_240 = vector.shape_cast %broadcast_in_dim3A_239 : vector<16x1xi32> to vector<16xi32>
        %gather3A_241 = tpu.dynamic_gather %min3A[%gather3A_240] in [0] : vector<16xi32>, vector<16xi32> -> vector<16xi32>
        %min3A_242 = arith.minsi %min3A, %gather3A_241 : vector<16xi32>
        %xor3A_243 = arith.constant 4 : i32
        %xor3A_244 = vector.broadcast %xor3A_243 : i32 to vector<16xi32>
        %xor3A_245 = arith.xori %iota3A, %xor3A_244 : vector<16xi32>
        %broadcast_in_dim3A_246 = vector.shape_cast %xor3A_245 : vector<16xi32> to vector<16x1xi32>
        %gather3A_247 = vector.shape_cast %broadcast_in_dim3A_246 : vector<16x1xi32> to vector<16xi32>
        %gather3A_248 = tpu.dynamic_gather %min3A_242[%gather3A_247] in [0] : vector<16xi32>, vector<16xi32> -> vector<16xi32>
        %min3A_249 = arith.minsi %min3A_242, %gather3A_248 : vector<16xi32>
        %xor3A_250 = arith.constant 8 : i32
        %xor3A_251 = vector.broadcast %xor3A_250 : i32 to vector<16xi32>
        %xor3A_252 = arith.xori %iota3A, %xor3A_251 : vector<16xi32>
        %broadcast_in_dim3A_253 = vector.shape_cast %xor3A_252 : vector<16xi32> to vector<16x1xi32>
        %gather3A_254 = vector.shape_cast %broadcast_in_dim3A_253 : vector<16x1xi32> to vector<16xi32>
        %gather3A_255 = tpu.dynamic_gather %min3A_249[%gather3A_254] in [0] : vector<16xi32>, vector<16xi32> -> vector<16xi32>
        %min3A_256 = arith.minsi %min3A_249, %gather3A_255 : vector<16xi32>
        %eq3A_257 = arith.cmpi eq, %iota3A, %min3A_256 : vector<16xi32>
        %eq3A_258 = arith.constant 0 : i32
        %eq3A_259 = vector.broadcast %eq3A_258 : i32 to vector<16xi32>
        %eq3A_260 = arith.cmpi eq, %iota3A, %eq3A_259 : vector<16xi32>
        %select_n3A_261 = arith.select %eq3A_260, %min3A_256, %broadcast_in_dim3A_197 : vector<16xi1>, vector<16xi32>
        %jit3A_262 = arith.constant 0.000000e+00 : f32
        %broadcast_in_dim3A_263 = vector.broadcast %jit3A_262 : f32 to vector<16xf32>
        %select_n3A_264 = arith.select %eq3A_257, %div3A_191, %broadcast_in_dim3A_263 : vector<16xi1>, vector<16xf32>
        %xor3A_265 = arith.constant 1 : i32
        %xor3A_266 = vector.broadcast %xor3A_265 : i32 to vector<16xi32>
        %xor3A_267 = arith.xori %iota3A, %xor3A_266 : vector<16xi32>
        %broadcast_in_dim3A_268 = vector.shape_cast %xor3A_267 : vector<16xi32> to vector<16x1xi32>
        %gather3A_269 = vector.shape_cast %broadcast_in_dim3A_268 : vector<16x1xi32> to vector<16xi32>
        %gather3A_270 = tpu.dynamic_gather %select_n3A_264[%gather3A_269] in [0] : vector<16xf32>, vector<16xi32> -> vector<16xf32>
        %add3A_271 = arith.addf %select_n3A_264, %gather3A_270 : vector<16xf32>
        %xor3A_272 = arith.constant 2 : i32
        %xor3A_273 = vector.broadcast %xor3A_272 : i32 to vector<16xi32>
        %xor3A_274 = arith.xori %iota3A, %xor3A_273 : vector<16xi32>
        %broadcast_in_dim3A_275 = vector.shape_cast %xor3A_274 : vector<16xi32> to vector<16x1xi32>
        %gather3A_276 = vector.shape_cast %broadcast_in_dim3A_275 : vector<16x1xi32> to vector<16xi32>
        %gather3A_277 = tpu.dynamic_gather %add3A_271[%gather3A_276] in [0] : vector<16xf32>, vector<16xi32> -> vector<16xf32>
        %add3A_278 = arith.addf %add3A_271, %gather3A_277 : vector<16xf32>
        %xor3A_279 = arith.constant 4 : i32
        %xor3A_280 = vector.broadcast %xor3A_279 : i32 to vector<16xi32>
        %xor3A_281 = arith.xori %iota3A, %xor3A_280 : vector<16xi32>
        %broadcast_in_dim3A_282 = vector.shape_cast %xor3A_281 : vector<16xi32> to vector<16x1xi32>
        %gather3A_283 = vector.shape_cast %broadcast_in_dim3A_282 : vector<16x1xi32> to vector<16xi32>
        %gather3A_284 = tpu.dynamic_gather %add3A_278[%gather3A_283] in [0] : vector<16xf32>, vector<16xi32> -> vector<16xf32>
        %add3A_285 = arith.addf %add3A_278, %gather3A_284 : vector<16xf32>
        %xor3A_286 = arith.constant 8 : i32
        %xor3A_287 = vector.broadcast %xor3A_286 : i32 to vector<16xi32>
        %xor3A_288 = arith.xori %iota3A, %xor3A_287 : vector<16xi32>
        %broadcast_in_dim3A_289 = vector.shape_cast %xor3A_288 : vector<16xi32> to vector<16x1xi32>
        %gather3A_290 = vector.shape_cast %broadcast_in_dim3A_289 : vector<16x1xi32> to vector<16xi32>
        %gather3A_291 = tpu.dynamic_gather %add3A_285[%gather3A_290] in [0] : vector<16xf32>, vector<16xi32> -> vector<16xf32>
        %add3A_292 = arith.addf %add3A_285, %gather3A_291 : vector<16xf32>
        %select_n3A_293 = arith.select %eq3A_260, %add3A_292, %broadcast_in_dim3A_199 : vector<16xi1>, vector<16xf32>
        %jit3A_294 = arith.constant 0xFF800000 : f32
        %broadcast_in_dim3A_295 = vector.broadcast %jit3A_294 : f32 to vector<16xf32>
        %select_n3A_296 = arith.select %eq3A_257, %broadcast_in_dim3A_295, %add3A_195 : vector<16xi1>, vector<16xf32>
        %xor3A_297 = arith.constant 1 : i32
        %xor3A_298 = vector.broadcast %xor3A_297 : i32 to vector<16xi32>
        %xor3A_299 = arith.xori %iota3A, %xor3A_298 : vector<16xi32>
        %broadcast_in_dim3A_300 = vector.shape_cast %xor3A_299 : vector<16xi32> to vector<16x1xi32>
        %gather3A_301 = vector.shape_cast %broadcast_in_dim3A_300 : vector<16x1xi32> to vector<16xi32>
        %gather3A_302 = tpu.dynamic_gather %select_n3A_296[%gather3A_301] in [0] : vector<16xf32>, vector<16xi32> -> vector<16xf32>
        %max3A_303 = arith.maximumf %select_n3A_296, %gather3A_302 : vector<16xf32>
        %xor3A_304 = arith.constant 2 : i32
        %xor3A_305 = vector.broadcast %xor3A_304 : i32 to vector<16xi32>
        %xor3A_306 = arith.xori %iota3A, %xor3A_305 : vector<16xi32>
        %broadcast_in_dim3A_307 = vector.shape_cast %xor3A_306 : vector<16xi32> to vector<16x1xi32>
        %gather3A_308 = vector.shape_cast %broadcast_in_dim3A_307 : vector<16x1xi32> to vector<16xi32>
        %gather3A_309 = tpu.dynamic_gather %max3A_303[%gather3A_308] in [0] : vector<16xf32>, vector<16xi32> -> vector<16xf32>
        %max3A_310 = arith.maximumf %max3A_303, %gather3A_309 : vector<16xf32>
        %xor3A_311 = arith.constant 4 : i32
        %xor3A_312 = vector.broadcast %xor3A_311 : i32 to vector<16xi32>
        %xor3A_313 = arith.xori %iota3A, %xor3A_312 : vector<16xi32>
        %broadcast_in_dim3A_314 = vector.shape_cast %xor3A_313 : vector<16xi32> to vector<16x1xi32>
        %gather3A_315 = vector.shape_cast %broadcast_in_dim3A_314 : vector<16x1xi32> to vector<16xi32>
        %gather3A_316 = tpu.dynamic_gather %max3A_310[%gather3A_315] in [0] : vector<16xf32>, vector<16xi32> -> vector<16xf32>
        %max3A_317 = arith.maximumf %max3A_310, %gather3A_316 : vector<16xf32>
        %xor3A_318 = arith.constant 8 : i32
        %xor3A_319 = vector.broadcast %xor3A_318 : i32 to vector<16xi32>
        %xor3A_320 = arith.xori %iota3A, %xor3A_319 : vector<16xi32>
        %broadcast_in_dim3A_321 = vector.shape_cast %xor3A_320 : vector<16xi32> to vector<16x1xi32>
        %gather3A_322 = vector.shape_cast %broadcast_in_dim3A_321 : vector<16x1xi32> to vector<16xi32>
        %gather3A_323 = tpu.dynamic_gather %max3A_317[%gather3A_322] in [0] : vector<16xf32>, vector<16xi32> -> vector<16xf32>
        %max3A_324 = arith.maximumf %max3A_317, %gather3A_323 : vector<16xf32>
        %eq3A_325 = arith.cmpf oeq, %select_n3A_296, %max3A_324 : vector<16xf32>
        %jit3A_326 = arith.constant 16 : i32
        %broadcast_in_dim3A_327 = vector.broadcast %jit3A_326 : i32 to vector<16xi32>
        %select_n3A_328 = arith.select %eq3A_325, %iota3A, %broadcast_in_dim3A_327 : vector<16xi1>, vector<16xi32>
        %xor3A_329 = arith.constant 1 : i32
        %xor3A_330 = vector.broadcast %xor3A_329 : i32 to vector<16xi32>
        %xor3A_331 = arith.xori %iota3A, %xor3A_330 : vector<16xi32>
        %broadcast_in_dim3A_332 = vector.shape_cast %xor3A_331 : vector<16xi32> to vector<16x1xi32>
        %gather3A_333 = vector.shape_cast %broadcast_in_dim3A_332 : vector<16x1xi32> to vector<16xi32>
        %gather3A_334 = tpu.dynamic_gather %select_n3A_328[%gather3A_333] in [0] : vector<16xi32>, vector<16xi32> -> vector<16xi32>
        %min3A_335 = arith.minsi %select_n3A_328, %gather3A_334 : vector<16xi32>
        %xor3A_336 = arith.constant 2 : i32
        %xor3A_337 = vector.broadcast %xor3A_336 : i32 to vector<16xi32>
        %xor3A_338 = arith.xori %iota3A, %xor3A_337 : vector<16xi32>
        %broadcast_in_dim3A_339 = vector.shape_cast %xor3A_338 : vector<16xi32> to vector<16x1xi32>
        %gather3A_340 = vector.shape_cast %broadcast_in_dim3A_339 : vector<16x1xi32> to vector<16xi32>
        %gather3A_341 = tpu.dynamic_gather %min3A_335[%gather3A_340] in [0] : vector<16xi32>, vector<16xi32> -> vector<16xi32>
        %min3A_342 = arith.minsi %min3A_335, %gather3A_341 : vector<16xi32>
        %xor3A_343 = arith.constant 4 : i32
        %xor3A_344 = vector.broadcast %xor3A_343 : i32 to vector<16xi32>
        %xor3A_345 = arith.xori %iota3A, %xor3A_344 : vector<16xi32>
        %broadcast_in_dim3A_346 = vector.shape_cast %xor3A_345 : vector<16xi32> to vector<16x1xi32>
        %gather3A_347 = vector.shape_cast %broadcast_in_dim3A_346 : vector<16x1xi32> to vector<16xi32>
        %gather3A_348 = tpu.dynamic_gather %min3A_342[%gather3A_347] in [0] : vector<16xi32>, vector<16xi32> -> vector<16xi32>
        %min3A_349 = arith.minsi %min3A_342, %gather3A_348 : vector<16xi32>
        %xor3A_350 = arith.constant 8 : i32
        %xor3A_351 = vector.broadcast %xor3A_350 : i32 to vector<16xi32>
        %xor3A_352 = arith.xori %iota3A, %xor3A_351 : vector<16xi32>
        %broadcast_in_dim3A_353 = vector.shape_cast %xor3A_352 : vector<16xi32> to vector<16x1xi32>
        %gather3A_354 = vector.shape_cast %broadcast_in_dim3A_353 : vector<16x1xi32> to vector<16xi32>
        %gather3A_355 = tpu.dynamic_gather %min3A_349[%gather3A_354] in [0] : vector<16xi32>, vector<16xi32> -> vector<16xi32>
        %min3A_356 = arith.minsi %min3A_349, %gather3A_355 : vector<16xi32>
        %eq3A_357 = arith.cmpi eq, %iota3A, %min3A_356 : vector<16xi32>
        %eq3A_358 = arith.constant 1 : i32
        %eq3A_359 = vector.broadcast %eq3A_358 : i32 to vector<16xi32>
        %eq3A_360 = arith.cmpi eq, %iota3A, %eq3A_359 : vector<16xi32>
        %select_n3A_361 = arith.select %eq3A_360, %min3A_356, %select_n3A_261 : vector<16xi1>, vector<16xi32>
        %jit3A_362 = arith.constant 0.000000e+00 : f32
        %broadcast_in_dim3A_363 = vector.broadcast %jit3A_362 : f32 to vector<16xf32>
        %select_n3A_364 = arith.select %eq3A_357, %div3A_191, %broadcast_in_dim3A_363 : vector<16xi1>, vector<16xf32>
        %xor3A_365 = arith.constant 1 : i32
        %xor3A_366 = vector.broadcast %xor3A_365 : i32 to vector<16xi32>
        %xor3A_367 = arith.xori %iota3A, %xor3A_366 : vector<16xi32>
        %broadcast_in_dim3A_368 = vector.shape_cast %xor3A_367 : vector<16xi32> to vector<16x1xi32>
        %gather3A_369 = vector.shape_cast %broadcast_in_dim3A_368 : vector<16x1xi32> to vector<16xi32>
        %gather3A_370 = tpu.dynamic_gather %select_n3A_364[%gather3A_369] in [0] : vector<16xf32>, vector<16xi32> -> vector<16xf32>
        %add3A_371 = arith.addf %select_n3A_364, %gather3A_370 : vector<16xf32>
        %xor3A_372 = arith.constant 2 : i32
        %xor3A_373 = vector.broadcast %xor3A_372 : i32 to vector<16xi32>
        %xor3A_374 = arith.xori %iota3A, %xor3A_373 : vector<16xi32>
        %broadcast_in_dim3A_375 = vector.shape_cast %xor3A_374 : vector<16xi32> to vector<16x1xi32>
        %gather3A_376 = vector.shape_cast %broadcast_in_dim3A_375 : vector<16x1xi32> to vector<16xi32>
        %gather3A_377 = tpu.dynamic_gather %add3A_371[%gather3A_376] in [0] : vector<16xf32>, vector<16xi32> -> vector<16xf32>
        %add3A_378 = arith.addf %add3A_371, %gather3A_377 : vector<16xf32>
        %xor3A_379 = arith.constant 4 : i32
        %xor3A_380 = vector.broadcast %xor3A_379 : i32 to vector<16xi32>
        %xor3A_381 = arith.xori %iota3A, %xor3A_380 : vector<16xi32>
        %broadcast_in_dim3A_382 = vector.shape_cast %xor3A_381 : vector<16xi32> to vector<16x1xi32>
        %gather3A_383 = vector.shape_cast %broadcast_in_dim3A_382 : vector<16x1xi32> to vector<16xi32>
        %gather3A_384 = tpu.dynamic_gather %add3A_378[%gather3A_383] in [0] : vector<16xf32>, vector<16xi32> -> vector<16xf32>
        %add3A_385 = arith.addf %add3A_378, %gather3A_384 : vector<16xf32>
        %xor3A_386 = arith.constant 8 : i32
        %xor3A_387 = vector.broadcast %xor3A_386 : i32 to vector<16xi32>
        %xor3A_388 = arith.xori %iota3A, %xor3A_387 : vector<16xi32>
        %broadcast_in_dim3A_389 = vector.shape_cast %xor3A_388 : vector<16xi32> to vector<16x1xi32>
        %gather3A_390 = vector.shape_cast %broadcast_in_dim3A_389 : vector<16x1xi32> to vector<16xi32>
        %gather3A_391 = tpu.dynamic_gather %add3A_385[%gather3A_390] in [0] : vector<16xf32>, vector<16xi32> -> vector<16xf32>
        %add3A_392 = arith.addf %add3A_385, %gather3A_391 : vector<16xf32>
        %select_n3A_393 = arith.select %eq3A_360, %add3A_392, %select_n3A_293 : vector<16xi1>, vector<16xf32>
        %jit3A_394 = arith.constant 0xFF800000 : f32
        %broadcast_in_dim3A_395 = vector.broadcast %jit3A_394 : f32 to vector<16xf32>
        %select_n3A_396 = arith.select %eq3A_357, %broadcast_in_dim3A_395, %select_n3A_296 : vector<16xi1>, vector<16xf32>
        %xor3A_397 = arith.constant 1 : i32
        %xor3A_398 = vector.broadcast %xor3A_397 : i32 to vector<16xi32>
        %xor3A_399 = arith.xori %iota3A, %xor3A_398 : vector<16xi32>
        %broadcast_in_dim3A_400 = vector.shape_cast %xor3A_399 : vector<16xi32> to vector<16x1xi32>
        %gather3A_401 = vector.shape_cast %broadcast_in_dim3A_400 : vector<16x1xi32> to vector<16xi32>
        %gather3A_402 = tpu.dynamic_gather %select_n3A_396[%gather3A_401] in [0] : vector<16xf32>, vector<16xi32> -> vector<16xf32>
        %max3A_403 = arith.maximumf %select_n3A_396, %gather3A_402 : vector<16xf32>
        %xor3A_404 = arith.constant 2 : i32
        %xor3A_405 = vector.broadcast %xor3A_404 : i32 to vector<16xi32>
        %xor3A_406 = arith.xori %iota3A, %xor3A_405 : vector<16xi32>
        %broadcast_in_dim3A_407 = vector.shape_cast %xor3A_406 : vector<16xi32> to vector<16x1xi32>
        %gather3A_408 = vector.shape_cast %broadcast_in_dim3A_407 : vector<16x1xi32> to vector<16xi32>
        %gather3A_409 = tpu.dynamic_gather %max3A_403[%gather3A_408] in [0] : vector<16xf32>, vector<16xi32> -> vector<16xf32>
        %max3A_410 = arith.maximumf %max3A_403, %gather3A_409 : vector<16xf32>
        %xor3A_411 = arith.constant 4 : i32
        %xor3A_412 = vector.broadcast %xor3A_411 : i32 to vector<16xi32>
        %xor3A_413 = arith.xori %iota3A, %xor3A_412 : vector<16xi32>
        %broadcast_in_dim3A_414 = vector.shape_cast %xor3A_413 : vector<16xi32> to vector<16x1xi32>
        %gather3A_415 = vector.shape_cast %broadcast_in_dim3A_414 : vector<16x1xi32> to vector<16xi32>
        %gather3A_416 = tpu.dynamic_gather %max3A_410[%gather3A_415] in [0] : vector<16xf32>, vector<16xi32> -> vector<16xf32>
        %max3A_417 = arith.maximumf %max3A_410, %gather3A_416 : vector<16xf32>
        %xor3A_418 = arith.constant 8 : i32
        %xor3A_419 = vector.broadcast %xor3A_418 : i32 to vector<16xi32>
        %xor3A_420 = arith.xori %iota3A, %xor3A_419 : vector<16xi32>
        %broadcast_in_dim3A_421 = vector.shape_cast %xor3A_420 : vector<16xi32> to vector<16x1xi32>
        %gather3A_422 = vector.shape_cast %broadcast_in_dim3A_421 : vector<16x1xi32> to vector<16xi32>
        %gather3A_423 = tpu.dynamic_gather %max3A_417[%gather3A_422] in [0] : vector<16xf32>, vector<16xi32> -> vector<16xf32>
        %max3A_424 = arith.maximumf %max3A_417, %gather3A_423 : vector<16xf32>
        %eq3A_425 = arith.cmpf oeq, %select_n3A_396, %max3A_424 : vector<16xf32>
        %jit3A_426 = arith.constant 16 : i32
        %broadcast_in_dim3A_427 = vector.broadcast %jit3A_426 : i32 to vector<16xi32>
        %select_n3A_428 = arith.select %eq3A_425, %iota3A, %broadcast_in_dim3A_427 : vector<16xi1>, vector<16xi32>
        %xor3A_429 = arith.constant 1 : i32
        %xor3A_430 = vector.broadcast %xor3A_429 : i32 to vector<16xi32>
        %xor3A_431 = arith.xori %iota3A, %xor3A_430 : vector<16xi32>
        %broadcast_in_dim3A_432 = vector.shape_cast %xor3A_431 : vector<16xi32> to vector<16x1xi32>
        %gather3A_433 = vector.shape_cast %broadcast_in_dim3A_432 : vector<16x1xi32> to vector<16xi32>
        %gather3A_434 = tpu.dynamic_gather %select_n3A_428[%gather3A_433] in [0] : vector<16xi32>, vector<16xi32> -> vector<16xi32>
        %min3A_435 = arith.minsi %select_n3A_428, %gather3A_434 : vector<16xi32>
        %xor3A_436 = arith.constant 2 : i32
        %xor3A_437 = vector.broadcast %xor3A_436 : i32 to vector<16xi32>
        %xor3A_438 = arith.xori %iota3A, %xor3A_437 : vector<16xi32>
        %broadcast_in_dim3A_439 = vector.shape_cast %xor3A_438 : vector<16xi32> to vector<16x1xi32>
        %gather3A_440 = vector.shape_cast %broadcast_in_dim3A_439 : vector<16x1xi32> to vector<16xi32>
        %gather3A_441 = tpu.dynamic_gather %min3A_435[%gather3A_440] in [0] : vector<16xi32>, vector<16xi32> -> vector<16xi32>
        %min3A_442 = arith.minsi %min3A_435, %gather3A_441 : vector<16xi32>
        %xor3A_443 = arith.constant 4 : i32
        %xor3A_444 = vector.broadcast %xor3A_443 : i32 to vector<16xi32>
        %xor3A_445 = arith.xori %iota3A, %xor3A_444 : vector<16xi32>
        %broadcast_in_dim3A_446 = vector.shape_cast %xor3A_445 : vector<16xi32> to vector<16x1xi32>
        %gather3A_447 = vector.shape_cast %broadcast_in_dim3A_446 : vector<16x1xi32> to vector<16xi32>
        %gather3A_448 = tpu.dynamic_gather %min3A_442[%gather3A_447] in [0] : vector<16xi32>, vector<16xi32> -> vector<16xi32>
        %min3A_449 = arith.minsi %min3A_442, %gather3A_448 : vector<16xi32>
        %xor3A_450 = arith.constant 8 : i32
        %xor3A_451 = vector.broadcast %xor3A_450 : i32 to vector<16xi32>
        %xor3A_452 = arith.xori %iota3A, %xor3A_451 : vector<16xi32>
        %broadcast_in_dim3A_453 = vector.shape_cast %xor3A_452 : vector<16xi32> to vector<16x1xi32>
        %gather3A_454 = vector.shape_cast %broadcast_in_dim3A_453 : vector<16x1xi32> to vector<16xi32>
        %gather3A_455 = tpu.dynamic_gather %min3A_449[%gather3A_454] in [0] : vector<16xi32>, vector<16xi32> -> vector<16xi32>
        %min3A_456 = arith.minsi %min3A_449, %gather3A_455 : vector<16xi32>
        %eq3A_457 = arith.cmpi eq, %iota3A, %min3A_456 : vector<16xi32>
        %eq3A_458 = arith.constant 2 : i32
        %eq3A_459 = vector.broadcast %eq3A_458 : i32 to vector<16xi32>
        %eq3A_460 = arith.cmpi eq, %iota3A, %eq3A_459 : vector<16xi32>
        %select_n3A_461 = arith.select %eq3A_460, %min3A_456, %select_n3A_361 : vector<16xi1>, vector<16xi32>
        %jit3A_462 = arith.constant 0.000000e+00 : f32
        %broadcast_in_dim3A_463 = vector.broadcast %jit3A_462 : f32 to vector<16xf32>
        %select_n3A_464 = arith.select %eq3A_457, %div3A_191, %broadcast_in_dim3A_463 : vector<16xi1>, vector<16xf32>
        %xor3A_465 = arith.constant 1 : i32
        %xor3A_466 = vector.broadcast %xor3A_465 : i32 to vector<16xi32>
        %xor3A_467 = arith.xori %iota3A, %xor3A_466 : vector<16xi32>
        %broadcast_in_dim3A_468 = vector.shape_cast %xor3A_467 : vector<16xi32> to vector<16x1xi32>
        %gather3A_469 = vector.shape_cast %broadcast_in_dim3A_468 : vector<16x1xi32> to vector<16xi32>
        %gather3A_470 = tpu.dynamic_gather %select_n3A_464[%gather3A_469] in [0] : vector<16xf32>, vector<16xi32> -> vector<16xf32>
        %add3A_471 = arith.addf %select_n3A_464, %gather3A_470 : vector<16xf32>
        %xor3A_472 = arith.constant 2 : i32
        %xor3A_473 = vector.broadcast %xor3A_472 : i32 to vector<16xi32>
        %xor3A_474 = arith.xori %iota3A, %xor3A_473 : vector<16xi32>
        %broadcast_in_dim3A_475 = vector.shape_cast %xor3A_474 : vector<16xi32> to vector<16x1xi32>
        %gather3A_476 = vector.shape_cast %broadcast_in_dim3A_475 : vector<16x1xi32> to vector<16xi32>
        %gather3A_477 = tpu.dynamic_gather %add3A_471[%gather3A_476] in [0] : vector<16xf32>, vector<16xi32> -> vector<16xf32>
        %add3A_478 = arith.addf %add3A_471, %gather3A_477 : vector<16xf32>
        %xor3A_479 = arith.constant 4 : i32
        %xor3A_480 = vector.broadcast %xor3A_479 : i32 to vector<16xi32>
        %xor3A_481 = arith.xori %iota3A, %xor3A_480 : vector<16xi32>
        %broadcast_in_dim3A_482 = vector.shape_cast %xor3A_481 : vector<16xi32> to vector<16x1xi32>
        %gather3A_483 = vector.shape_cast %broadcast_in_dim3A_482 : vector<16x1xi32> to vector<16xi32>
        %gather3A_484 = tpu.dynamic_gather %add3A_478[%gather3A_483] in [0] : vector<16xf32>, vector<16xi32> -> vector<16xf32>
        %add3A_485 = arith.addf %add3A_478, %gather3A_484 : vector<16xf32>
        %xor3A_486 = arith.constant 8 : i32
        %xor3A_487 = vector.broadcast %xor3A_486 : i32 to vector<16xi32>
        %xor3A_488 = arith.xori %iota3A, %xor3A_487 : vector<16xi32>
        %broadcast_in_dim3A_489 = vector.shape_cast %xor3A_488 : vector<16xi32> to vector<16x1xi32>
        %gather3A_490 = vector.shape_cast %broadcast_in_dim3A_489 : vector<16x1xi32> to vector<16xi32>
        %gather3A_491 = tpu.dynamic_gather %add3A_485[%gather3A_490] in [0] : vector<16xf32>, vector<16xi32> -> vector<16xf32>
        %add3A_492 = arith.addf %add3A_485, %gather3A_491 : vector<16xf32>
        %select_n3A_493 = arith.select %eq3A_460, %add3A_492, %select_n3A_393 : vector<16xi1>, vector<16xf32>
        %jit3A_494 = arith.constant 0xFF800000 : f32
        %broadcast_in_dim3A_495 = vector.broadcast %jit3A_494 : f32 to vector<16xf32>
        %select_n3A_496 = arith.select %eq3A_457, %broadcast_in_dim3A_495, %select_n3A_396 : vector<16xi1>, vector<16xf32>
        %xor3A_497 = arith.constant 1 : i32
        %xor3A_498 = vector.broadcast %xor3A_497 : i32 to vector<16xi32>
        %xor3A_499 = arith.xori %iota3A, %xor3A_498 : vector<16xi32>
        %broadcast_in_dim3A_500 = vector.shape_cast %xor3A_499 : vector<16xi32> to vector<16x1xi32>
        %gather3A_501 = vector.shape_cast %broadcast_in_dim3A_500 : vector<16x1xi32> to vector<16xi32>
        %gather3A_502 = tpu.dynamic_gather %select_n3A_496[%gather3A_501] in [0] : vector<16xf32>, vector<16xi32> -> vector<16xf32>
        %max3A_503 = arith.maximumf %select_n3A_496, %gather3A_502 : vector<16xf32>
        %xor3A_504 = arith.constant 2 : i32
        %xor3A_505 = vector.broadcast %xor3A_504 : i32 to vector<16xi32>
        %xor3A_506 = arith.xori %iota3A, %xor3A_505 : vector<16xi32>
        %broadcast_in_dim3A_507 = vector.shape_cast %xor3A_506 : vector<16xi32> to vector<16x1xi32>
        %gather3A_508 = vector.shape_cast %broadcast_in_dim3A_507 : vector<16x1xi32> to vector<16xi32>
        %gather3A_509 = tpu.dynamic_gather %max3A_503[%gather3A_508] in [0] : vector<16xf32>, vector<16xi32> -> vector<16xf32>
        %max3A_510 = arith.maximumf %max3A_503, %gather3A_509 : vector<16xf32>
        %xor3A_511 = arith.constant 4 : i32
        %xor3A_512 = vector.broadcast %xor3A_511 : i32 to vector<16xi32>
        %xor3A_513 = arith.xori %iota3A, %xor3A_512 : vector<16xi32>
        %broadcast_in_dim3A_514 = vector.shape_cast %xor3A_513 : vector<16xi32> to vector<16x1xi32>
        %gather3A_515 = vector.shape_cast %broadcast_in_dim3A_514 : vector<16x1xi32> to vector<16xi32>
        %gather3A_516 = tpu.dynamic_gather %max3A_510[%gather3A_515] in [0] : vector<16xf32>, vector<16xi32> -> vector<16xf32>
        %max3A_517 = arith.maximumf %max3A_510, %gather3A_516 : vector<16xf32>
        %xor3A_518 = arith.constant 8 : i32
        %xor3A_519 = vector.broadcast %xor3A_518 : i32 to vector<16xi32>
        %xor3A_520 = arith.xori %iota3A, %xor3A_519 : vector<16xi32>
        %broadcast_in_dim3A_521 = vector.shape_cast %xor3A_520 : vector<16xi32> to vector<16x1xi32>
        %gather3A_522 = vector.shape_cast %broadcast_in_dim3A_521 : vector<16x1xi32> to vector<16xi32>
        %gather3A_523 = tpu.dynamic_gather %max3A_517[%gather3A_522] in [0] : vector<16xf32>, vector<16xi32> -> vector<16xf32>
        %max3A_524 = arith.maximumf %max3A_517, %gather3A_523 : vector<16xf32>
        %eq3A_525 = arith.cmpf oeq, %select_n3A_496, %max3A_524 : vector<16xf32>
        %jit3A_526 = arith.constant 16 : i32
        %broadcast_in_dim3A_527 = vector.broadcast %jit3A_526 : i32 to vector<16xi32>
        %select_n3A_528 = arith.select %eq3A_525, %iota3A, %broadcast_in_dim3A_527 : vector<16xi1>, vector<16xi32>
        %xor3A_529 = arith.constant 1 : i32
        %xor3A_530 = vector.broadcast %xor3A_529 : i32 to vector<16xi32>
        %xor3A_531 = arith.xori %iota3A, %xor3A_530 : vector<16xi32>
        %broadcast_in_dim3A_532 = vector.shape_cast %xor3A_531 : vector<16xi32> to vector<16x1xi32>
        %gather3A_533 = vector.shape_cast %broadcast_in_dim3A_532 : vector<16x1xi32> to vector<16xi32>
        %gather3A_534 = tpu.dynamic_gather %select_n3A_528[%gather3A_533] in [0] : vector<16xi32>, vector<16xi32> -> vector<16xi32>
        %min3A_535 = arith.minsi %select_n3A_528, %gather3A_534 : vector<16xi32>
        %xor3A_536 = arith.constant 2 : i32
        %xor3A_537 = vector.broadcast %xor3A_536 : i32 to vector<16xi32>
        %xor3A_538 = arith.xori %iota3A, %xor3A_537 : vector<16xi32>
        %broadcast_in_dim3A_539 = vector.shape_cast %xor3A_538 : vector<16xi32> to vector<16x1xi32>
        %gather3A_540 = vector.shape_cast %broadcast_in_dim3A_539 : vector<16x1xi32> to vector<16xi32>
        %gather3A_541 = tpu.dynamic_gather %min3A_535[%gather3A_540] in [0] : vector<16xi32>, vector<16xi32> -> vector<16xi32>
        %min3A_542 = arith.minsi %min3A_535, %gather3A_541 : vector<16xi32>
        %xor3A_543 = arith.constant 4 : i32
        %xor3A_544 = vector.broadcast %xor3A_543 : i32 to vector<16xi32>
        %xor3A_545 = arith.xori %iota3A, %xor3A_544 : vector<16xi32>
        %broadcast_in_dim3A_546 = vector.shape_cast %xor3A_545 : vector<16xi32> to vector<16x1xi32>
        %gather3A_547 = vector.shape_cast %broadcast_in_dim3A_546 : vector<16x1xi32> to vector<16xi32>
        %gather3A_548 = tpu.dynamic_gather %min3A_542[%gather3A_547] in [0] : vector<16xi32>, vector<16xi32> -> vector<16xi32>
        %min3A_549 = arith.minsi %min3A_542, %gather3A_548 : vector<16xi32>
        %xor3A_550 = arith.constant 8 : i32
        %xor3A_551 = vector.broadcast %xor3A_550 : i32 to vector<16xi32>
        %xor3A_552 = arith.xori %iota3A, %xor3A_551 : vector<16xi32>
        %broadcast_in_dim3A_553 = vector.shape_cast %xor3A_552 : vector<16xi32> to vector<16x1xi32>
        %gather3A_554 = vector.shape_cast %broadcast_in_dim3A_553 : vector<16x1xi32> to vector<16xi32>
        %gather3A_555 = tpu.dynamic_gather %min3A_549[%gather3A_554] in [0] : vector<16xi32>, vector<16xi32> -> vector<16xi32>
        %min3A_556 = arith.minsi %min3A_549, %gather3A_555 : vector<16xi32>
        %eq3A_557 = arith.cmpi eq, %iota3A, %min3A_556 : vector<16xi32>
        %eq3A_558 = arith.constant 3 : i32
        %eq3A_559 = vector.broadcast %eq3A_558 : i32 to vector<16xi32>
        %eq3A_560 = arith.cmpi eq, %iota3A, %eq3A_559 : vector<16xi32>
        %select_n3A_561 = arith.select %eq3A_560, %min3A_556, %select_n3A_461 : vector<16xi1>, vector<16xi32>
        %jit3A_562 = arith.constant 0.000000e+00 : f32
        %broadcast_in_dim3A_563 = vector.broadcast %jit3A_562 : f32 to vector<16xf32>
        %select_n3A_564 = arith.select %eq3A_557, %div3A_191, %broadcast_in_dim3A_563 : vector<16xi1>, vector<16xf32>
        %xor3A_565 = arith.constant 1 : i32
        %xor3A_566 = vector.broadcast %xor3A_565 : i32 to vector<16xi32>
        %xor3A_567 = arith.xori %iota3A, %xor3A_566 : vector<16xi32>
        %broadcast_in_dim3A_568 = vector.shape_cast %xor3A_567 : vector<16xi32> to vector<16x1xi32>
        %gather3A_569 = vector.shape_cast %broadcast_in_dim3A_568 : vector<16x1xi32> to vector<16xi32>
        %gather3A_570 = tpu.dynamic_gather %select_n3A_564[%gather3A_569] in [0] : vector<16xf32>, vector<16xi32> -> vector<16xf32>
        %add3A_571 = arith.addf %select_n3A_564, %gather3A_570 : vector<16xf32>
        %xor3A_572 = arith.constant 2 : i32
        %xor3A_573 = vector.broadcast %xor3A_572 : i32 to vector<16xi32>
        %xor3A_574 = arith.xori %iota3A, %xor3A_573 : vector<16xi32>
        %broadcast_in_dim3A_575 = vector.shape_cast %xor3A_574 : vector<16xi32> to vector<16x1xi32>
        %gather3A_576 = vector.shape_cast %broadcast_in_dim3A_575 : vector<16x1xi32> to vector<16xi32>
        %gather3A_577 = tpu.dynamic_gather %add3A_571[%gather3A_576] in [0] : vector<16xf32>, vector<16xi32> -> vector<16xf32>
        %add3A_578 = arith.addf %add3A_571, %gather3A_577 : vector<16xf32>
        %xor3A_579 = arith.constant 4 : i32
        %xor3A_580 = vector.broadcast %xor3A_579 : i32 to vector<16xi32>
        %xor3A_581 = arith.xori %iota3A, %xor3A_580 : vector<16xi32>
        %broadcast_in_dim3A_582 = vector.shape_cast %xor3A_581 : vector<16xi32> to vector<16x1xi32>
        %gather3A_583 = vector.shape_cast %broadcast_in_dim3A_582 : vector<16x1xi32> to vector<16xi32>
        %gather3A_584 = tpu.dynamic_gather %add3A_578[%gather3A_583] in [0] : vector<16xf32>, vector<16xi32> -> vector<16xf32>
        %add3A_585 = arith.addf %add3A_578, %gather3A_584 : vector<16xf32>
        %xor3A_586 = arith.constant 8 : i32
        %xor3A_587 = vector.broadcast %xor3A_586 : i32 to vector<16xi32>
        %xor3A_588 = arith.xori %iota3A, %xor3A_587 : vector<16xi32>
        %broadcast_in_dim3A_589 = vector.shape_cast %xor3A_588 : vector<16xi32> to vector<16x1xi32>
        %gather3A_590 = vector.shape_cast %broadcast_in_dim3A_589 : vector<16x1xi32> to vector<16xi32>
        %gather3A_591 = tpu.dynamic_gather %add3A_585[%gather3A_590] in [0] : vector<16xf32>, vector<16xi32> -> vector<16xf32>
        %add3A_592 = arith.addf %add3A_585, %gather3A_591 : vector<16xf32>
        %select_n3A_593 = arith.select %eq3A_560, %add3A_592, %select_n3A_493 : vector<16xi1>, vector<16xf32>
        %jit3A_594 = arith.constant 0xFF800000 : f32
        %broadcast_in_dim3A_595 = vector.broadcast %jit3A_594 : f32 to vector<16xf32>
        %select_n3A_596 = arith.select %eq3A_557, %broadcast_in_dim3A_595, %select_n3A_496 : vector<16xi1>, vector<16xf32>
        %xor3A_597 = arith.constant 1 : i32
        %xor3A_598 = vector.broadcast %xor3A_597 : i32 to vector<16xi32>
        %xor3A_599 = arith.xori %iota3A, %xor3A_598 : vector<16xi32>
        %broadcast_in_dim3A_600 = vector.shape_cast %xor3A_599 : vector<16xi32> to vector<16x1xi32>
        %gather3A_601 = vector.shape_cast %broadcast_in_dim3A_600 : vector<16x1xi32> to vector<16xi32>
        %gather3A_602 = tpu.dynamic_gather %select_n3A_596[%gather3A_601] in [0] : vector<16xf32>, vector<16xi32> -> vector<16xf32>
        %max3A_603 = arith.maximumf %select_n3A_596, %gather3A_602 : vector<16xf32>
        %xor3A_604 = arith.constant 2 : i32
        %xor3A_605 = vector.broadcast %xor3A_604 : i32 to vector<16xi32>
        %xor3A_606 = arith.xori %iota3A, %xor3A_605 : vector<16xi32>
        %broadcast_in_dim3A_607 = vector.shape_cast %xor3A_606 : vector<16xi32> to vector<16x1xi32>
        %gather3A_608 = vector.shape_cast %broadcast_in_dim3A_607 : vector<16x1xi32> to vector<16xi32>
        %gather3A_609 = tpu.dynamic_gather %max3A_603[%gather3A_608] in [0] : vector<16xf32>, vector<16xi32> -> vector<16xf32>
        %max3A_610 = arith.maximumf %max3A_603, %gather3A_609 : vector<16xf32>
        %xor3A_611 = arith.constant 4 : i32
        %xor3A_612 = vector.broadcast %xor3A_611 : i32 to vector<16xi32>
        %xor3A_613 = arith.xori %iota3A, %xor3A_612 : vector<16xi32>
        %broadcast_in_dim3A_614 = vector.shape_cast %xor3A_613 : vector<16xi32> to vector<16x1xi32>
        %gather3A_615 = vector.shape_cast %broadcast_in_dim3A_614 : vector<16x1xi32> to vector<16xi32>
        %gather3A_616 = tpu.dynamic_gather %max3A_610[%gather3A_615] in [0] : vector<16xf32>, vector<16xi32> -> vector<16xf32>
        %max3A_617 = arith.maximumf %max3A_610, %gather3A_616 : vector<16xf32>
        %xor3A_618 = arith.constant 8 : i32
        %xor3A_619 = vector.broadcast %xor3A_618 : i32 to vector<16xi32>
        %xor3A_620 = arith.xori %iota3A, %xor3A_619 : vector<16xi32>
        %broadcast_in_dim3A_621 = vector.shape_cast %xor3A_620 : vector<16xi32> to vector<16x1xi32>
        %gather3A_622 = vector.shape_cast %broadcast_in_dim3A_621 : vector<16x1xi32> to vector<16xi32>
        %gather3A_623 = tpu.dynamic_gather %max3A_617[%gather3A_622] in [0] : vector<16xf32>, vector<16xi32> -> vector<16xf32>
        %max3A_624 = arith.maximumf %max3A_617, %gather3A_623 : vector<16xf32>
        %eq3A_625 = arith.cmpf oeq, %select_n3A_596, %max3A_624 : vector<16xf32>
        %jit3A_626 = arith.constant 16 : i32
        %broadcast_in_dim3A_627 = vector.broadcast %jit3A_626 : i32 to vector<16xi32>
        %select_n3A_628 = arith.select %eq3A_625, %iota3A, %broadcast_in_dim3A_627 : vector<16xi1>, vector<16xi32>
        %xor3A_629 = arith.constant 1 : i32
        %xor3A_630 = vector.broadcast %xor3A_629 : i32 to vector<16xi32>
        %xor3A_631 = arith.xori %iota3A, %xor3A_630 : vector<16xi32>
        %broadcast_in_dim3A_632 = vector.shape_cast %xor3A_631 : vector<16xi32> to vector<16x1xi32>
        %gather3A_633 = vector.shape_cast %broadcast_in_dim3A_632 : vector<16x1xi32> to vector<16xi32>
        %gather3A_634 = tpu.dynamic_gather %select_n3A_628[%gather3A_633] in [0] : vector<16xi32>, vector<16xi32> -> vector<16xi32>
        %min3A_635 = arith.minsi %select_n3A_628, %gather3A_634 : vector<16xi32>
        %xor3A_636 = arith.constant 2 : i32
        %xor3A_637 = vector.broadcast %xor3A_636 : i32 to vector<16xi32>
        %xor3A_638 = arith.xori %iota3A, %xor3A_637 : vector<16xi32>
        %broadcast_in_dim3A_639 = vector.shape_cast %xor3A_638 : vector<16xi32> to vector<16x1xi32>
        %gather3A_640 = vector.shape_cast %broadcast_in_dim3A_639 : vector<16x1xi32> to vector<16xi32>
        %gather3A_641 = tpu.dynamic_gather %min3A_635[%gather3A_640] in [0] : vector<16xi32>, vector<16xi32> -> vector<16xi32>
        %min3A_642 = arith.minsi %min3A_635, %gather3A_641 : vector<16xi32>
        %xor3A_643 = arith.constant 4 : i32
        %xor3A_644 = vector.broadcast %xor3A_643 : i32 to vector<16xi32>
        %xor3A_645 = arith.xori %iota3A, %xor3A_644 : vector<16xi32>
        %broadcast_in_dim3A_646 = vector.shape_cast %xor3A_645 : vector<16xi32> to vector<16x1xi32>
        %gather3A_647 = vector.shape_cast %broadcast_in_dim3A_646 : vector<16x1xi32> to vector<16xi32>
        %gather3A_648 = tpu.dynamic_gather %min3A_642[%gather3A_647] in [0] : vector<16xi32>, vector<16xi32> -> vector<16xi32>
        %min3A_649 = arith.minsi %min3A_642, %gather3A_648 : vector<16xi32>
        %xor3A_650 = arith.constant 8 : i32
        %xor3A_651 = vector.broadcast %xor3A_650 : i32 to vector<16xi32>
        %xor3A_652 = arith.xori %iota3A, %xor3A_651 : vector<16xi32>
        %broadcast_in_dim3A_653 = vector.shape_cast %xor3A_652 : vector<16xi32> to vector<16x1xi32>
        %gather3A_654 = vector.shape_cast %broadcast_in_dim3A_653 : vector<16x1xi32> to vector<16xi32>
        %gather3A_655 = tpu.dynamic_gather %min3A_649[%gather3A_654] in [0] : vector<16xi32>, vector<16xi32> -> vector<16xi32>
        %min3A_656 = arith.minsi %min3A_649, %gather3A_655 : vector<16xi32>
        %eq3A_657 = arith.cmpi eq, %iota3A, %min3A_656 : vector<16xi32>
        %eq3A_658 = arith.constant 4 : i32
        %eq3A_659 = vector.broadcast %eq3A_658 : i32 to vector<16xi32>
        %eq3A_660 = arith.cmpi eq, %iota3A, %eq3A_659 : vector<16xi32>
        %select_n3A_661 = arith.select %eq3A_660, %min3A_656, %select_n3A_561 : vector<16xi1>, vector<16xi32>
        %jit3A_662 = arith.constant 0.000000e+00 : f32
        %broadcast_in_dim3A_663 = vector.broadcast %jit3A_662 : f32 to vector<16xf32>
        %select_n3A_664 = arith.select %eq3A_657, %div3A_191, %broadcast_in_dim3A_663 : vector<16xi1>, vector<16xf32>
        %xor3A_665 = arith.constant 1 : i32
        %xor3A_666 = vector.broadcast %xor3A_665 : i32 to vector<16xi32>
        %xor3A_667 = arith.xori %iota3A, %xor3A_666 : vector<16xi32>
        %broadcast_in_dim3A_668 = vector.shape_cast %xor3A_667 : vector<16xi32> to vector<16x1xi32>
        %gather3A_669 = vector.shape_cast %broadcast_in_dim3A_668 : vector<16x1xi32> to vector<16xi32>
        %gather3A_670 = tpu.dynamic_gather %select_n3A_664[%gather3A_669] in [0] : vector<16xf32>, vector<16xi32> -> vector<16xf32>
        %add3A_671 = arith.addf %select_n3A_664, %gather3A_670 : vector<16xf32>
        %xor3A_672 = arith.constant 2 : i32
        %xor3A_673 = vector.broadcast %xor3A_672 : i32 to vector<16xi32>
        %xor3A_674 = arith.xori %iota3A, %xor3A_673 : vector<16xi32>
        %broadcast_in_dim3A_675 = vector.shape_cast %xor3A_674 : vector<16xi32> to vector<16x1xi32>
        %gather3A_676 = vector.shape_cast %broadcast_in_dim3A_675 : vector<16x1xi32> to vector<16xi32>
        %gather3A_677 = tpu.dynamic_gather %add3A_671[%gather3A_676] in [0] : vector<16xf32>, vector<16xi32> -> vector<16xf32>
        %add3A_678 = arith.addf %add3A_671, %gather3A_677 : vector<16xf32>
        %xor3A_679 = arith.constant 4 : i32
        %xor3A_680 = vector.broadcast %xor3A_679 : i32 to vector<16xi32>
        %xor3A_681 = arith.xori %iota3A, %xor3A_680 : vector<16xi32>
        %broadcast_in_dim3A_682 = vector.shape_cast %xor3A_681 : vector<16xi32> to vector<16x1xi32>
        %gather3A_683 = vector.shape_cast %broadcast_in_dim3A_682 : vector<16x1xi32> to vector<16xi32>
        %gather3A_684 = tpu.dynamic_gather %add3A_678[%gather3A_683] in [0] : vector<16xf32>, vector<16xi32> -> vector<16xf32>
        %add3A_685 = arith.addf %add3A_678, %gather3A_684 : vector<16xf32>
        %xor3A_686 = arith.constant 8 : i32
        %xor3A_687 = vector.broadcast %xor3A_686 : i32 to vector<16xi32>
        %xor3A_688 = arith.xori %iota3A, %xor3A_687 : vector<16xi32>
        %broadcast_in_dim3A_689 = vector.shape_cast %xor3A_688 : vector<16xi32> to vector<16x1xi32>
        %gather3A_690 = vector.shape_cast %broadcast_in_dim3A_689 : vector<16x1xi32> to vector<16xi32>
        %gather3A_691 = tpu.dynamic_gather %add3A_685[%gather3A_690] in [0] : vector<16xf32>, vector<16xi32> -> vector<16xf32>
        %add3A_692 = arith.addf %add3A_685, %gather3A_691 : vector<16xf32>
        %select_n3A_693 = arith.select %eq3A_660, %add3A_692, %select_n3A_593 : vector<16xi1>, vector<16xf32>
        %jit3A_694 = arith.constant 0xFF800000 : f32
        %broadcast_in_dim3A_695 = vector.broadcast %jit3A_694 : f32 to vector<16xf32>
        %select_n3A_696 = arith.select %eq3A_657, %broadcast_in_dim3A_695, %select_n3A_596 : vector<16xi1>, vector<16xf32>
        %xor3A_697 = arith.constant 1 : i32
        %xor3A_698 = vector.broadcast %xor3A_697 : i32 to vector<16xi32>
        %xor3A_699 = arith.xori %iota3A, %xor3A_698 : vector<16xi32>
        %broadcast_in_dim3A_700 = vector.shape_cast %xor3A_699 : vector<16xi32> to vector<16x1xi32>
        %gather3A_701 = vector.shape_cast %broadcast_in_dim3A_700 : vector<16x1xi32> to vector<16xi32>
        %gather3A_702 = tpu.dynamic_gather %select_n3A_696[%gather3A_701] in [0] : vector<16xf32>, vector<16xi32> -> vector<16xf32>
        %max3A_703 = arith.maximumf %select_n3A_696, %gather3A_702 : vector<16xf32>
        %xor3A_704 = arith.constant 2 : i32
        %xor3A_705 = vector.broadcast %xor3A_704 : i32 to vector<16xi32>
        %xor3A_706 = arith.xori %iota3A, %xor3A_705 : vector<16xi32>
        %broadcast_in_dim3A_707 = vector.shape_cast %xor3A_706 : vector<16xi32> to vector<16x1xi32>
        %gather3A_708 = vector.shape_cast %broadcast_in_dim3A_707 : vector<16x1xi32> to vector<16xi32>
        %gather3A_709 = tpu.dynamic_gather %max3A_703[%gather3A_708] in [0] : vector<16xf32>, vector<16xi32> -> vector<16xf32>
        %max3A_710 = arith.maximumf %max3A_703, %gather3A_709 : vector<16xf32>
        %xor3A_711 = arith.constant 4 : i32
        %xor3A_712 = vector.broadcast %xor3A_711 : i32 to vector<16xi32>
        %xor3A_713 = arith.xori %iota3A, %xor3A_712 : vector<16xi32>
        %broadcast_in_dim3A_714 = vector.shape_cast %xor3A_713 : vector<16xi32> to vector<16x1xi32>
        %gather3A_715 = vector.shape_cast %broadcast_in_dim3A_714 : vector<16x1xi32> to vector<16xi32>
        %gather3A_716 = tpu.dynamic_gather %max3A_710[%gather3A_715] in [0] : vector<16xf32>, vector<16xi32> -> vector<16xf32>
        %max3A_717 = arith.maximumf %max3A_710, %gather3A_716 : vector<16xf32>
        %xor3A_718 = arith.constant 8 : i32
        %xor3A_719 = vector.broadcast %xor3A_718 : i32 to vector<16xi32>
        %xor3A_720 = arith.xori %iota3A, %xor3A_719 : vector<16xi32>
        %broadcast_in_dim3A_721 = vector.shape_cast %xor3A_720 : vector<16xi32> to vector<16x1xi32>
        %gather3A_722 = vector.shape_cast %broadcast_in_dim3A_721 : vector<16x1xi32> to vector<16xi32>
        %gather3A_723 = tpu.dynamic_gather %max3A_717[%gather3A_722] in [0] : vector<16xf32>, vector<16xi32> -> vector<16xf32>
        %max3A_724 = arith.maximumf %max3A_717, %gather3A_723 : vector<16xf32>
        %eq3A_725 = arith.cmpf oeq, %select_n3A_696, %max3A_724 : vector<16xf32>
        %jit3A_726 = arith.constant 16 : i32
        %broadcast_in_dim3A_727 = vector.broadcast %jit3A_726 : i32 to vector<16xi32>
        %select_n3A_728 = arith.select %eq3A_725, %iota3A, %broadcast_in_dim3A_727 : vector<16xi1>, vector<16xi32>
        %xor3A_729 = arith.constant 1 : i32
        %xor3A_730 = vector.broadcast %xor3A_729 : i32 to vector<16xi32>
        %xor3A_731 = arith.xori %iota3A, %xor3A_730 : vector<16xi32>
        %broadcast_in_dim3A_732 = vector.shape_cast %xor3A_731 : vector<16xi32> to vector<16x1xi32>
        %gather3A_733 = vector.shape_cast %broadcast_in_dim3A_732 : vector<16x1xi32> to vector<16xi32>
        %gather3A_734 = tpu.dynamic_gather %select_n3A_728[%gather3A_733] in [0] : vector<16xi32>, vector<16xi32> -> vector<16xi32>
        %min3A_735 = arith.minsi %select_n3A_728, %gather3A_734 : vector<16xi32>
        %xor3A_736 = arith.constant 2 : i32
        %xor3A_737 = vector.broadcast %xor3A_736 : i32 to vector<16xi32>
        %xor3A_738 = arith.xori %iota3A, %xor3A_737 : vector<16xi32>
        %broadcast_in_dim3A_739 = vector.shape_cast %xor3A_738 : vector<16xi32> to vector<16x1xi32>
        %gather3A_740 = vector.shape_cast %broadcast_in_dim3A_739 : vector<16x1xi32> to vector<16xi32>
        %gather3A_741 = tpu.dynamic_gather %min3A_735[%gather3A_740] in [0] : vector<16xi32>, vector<16xi32> -> vector<16xi32>
        %min3A_742 = arith.minsi %min3A_735, %gather3A_741 : vector<16xi32>
        %xor3A_743 = arith.constant 4 : i32
        %xor3A_744 = vector.broadcast %xor3A_743 : i32 to vector<16xi32>
        %xor3A_745 = arith.xori %iota3A, %xor3A_744 : vector<16xi32>
        %broadcast_in_dim3A_746 = vector.shape_cast %xor3A_745 : vector<16xi32> to vector<16x1xi32>
        %gather3A_747 = vector.shape_cast %broadcast_in_dim3A_746 : vector<16x1xi32> to vector<16xi32>
        %gather3A_748 = tpu.dynamic_gather %min3A_742[%gather3A_747] in [0] : vector<16xi32>, vector<16xi32> -> vector<16xi32>
        %min3A_749 = arith.minsi %min3A_742, %gather3A_748 : vector<16xi32>
        %xor3A_750 = arith.constant 8 : i32
        %xor3A_751 = vector.broadcast %xor3A_750 : i32 to vector<16xi32>
        %xor3A_752 = arith.xori %iota3A, %xor3A_751 : vector<16xi32>
        %broadcast_in_dim3A_753 = vector.shape_cast %xor3A_752 : vector<16xi32> to vector<16x1xi32>
        %gather3A_754 = vector.shape_cast %broadcast_in_dim3A_753 : vector<16x1xi32> to vector<16xi32>
        %gather3A_755 = tpu.dynamic_gather %min3A_749[%gather3A_754] in [0] : vector<16xi32>, vector<16xi32> -> vector<16xi32>
        %min3A_756 = arith.minsi %min3A_749, %gather3A_755 : vector<16xi32>
        %eq3A_757 = arith.cmpi eq, %iota3A, %min3A_756 : vector<16xi32>
        %eq3A_758 = arith.constant 5 : i32
        %eq3A_759 = vector.broadcast %eq3A_758 : i32 to vector<16xi32>
        %eq3A_760 = arith.cmpi eq, %iota3A, %eq3A_759 : vector<16xi32>
        %select_n3A_761 = arith.select %eq3A_760, %min3A_756, %select_n3A_661 : vector<16xi1>, vector<16xi32>
        %jit3A_762 = arith.constant 0.000000e+00 : f32
        %broadcast_in_dim3A_763 = vector.broadcast %jit3A_762 : f32 to vector<16xf32>
        %select_n3A_764 = arith.select %eq3A_757, %div3A_191, %broadcast_in_dim3A_763 : vector<16xi1>, vector<16xf32>
        %xor3A_765 = arith.constant 1 : i32
        %xor3A_766 = vector.broadcast %xor3A_765 : i32 to vector<16xi32>
        %xor3A_767 = arith.xori %iota3A, %xor3A_766 : vector<16xi32>
        %broadcast_in_dim3A_768 = vector.shape_cast %xor3A_767 : vector<16xi32> to vector<16x1xi32>
        %gather3A_769 = vector.shape_cast %broadcast_in_dim3A_768 : vector<16x1xi32> to vector<16xi32>
        %gather3A_770 = tpu.dynamic_gather %select_n3A_764[%gather3A_769] in [0] : vector<16xf32>, vector<16xi32> -> vector<16xf32>
        %add3A_771 = arith.addf %select_n3A_764, %gather3A_770 : vector<16xf32>
        %xor3A_772 = arith.constant 2 : i32
        %xor3A_773 = vector.broadcast %xor3A_772 : i32 to vector<16xi32>
        %xor3A_774 = arith.xori %iota3A, %xor3A_773 : vector<16xi32>
        %broadcast_in_dim3A_775 = vector.shape_cast %xor3A_774 : vector<16xi32> to vector<16x1xi32>
        %gather3A_776 = vector.shape_cast %broadcast_in_dim3A_775 : vector<16x1xi32> to vector<16xi32>
        %gather3A_777 = tpu.dynamic_gather %add3A_771[%gather3A_776] in [0] : vector<16xf32>, vector<16xi32> -> vector<16xf32>
        %add3A_778 = arith.addf %add3A_771, %gather3A_777 : vector<16xf32>
        %xor3A_779 = arith.constant 4 : i32
        %xor3A_780 = vector.broadcast %xor3A_779 : i32 to vector<16xi32>
        %xor3A_781 = arith.xori %iota3A, %xor3A_780 : vector<16xi32>
        %broadcast_in_dim3A_782 = vector.shape_cast %xor3A_781 : vector<16xi32> to vector<16x1xi32>
        %gather3A_783 = vector.shape_cast %broadcast_in_dim3A_782 : vector<16x1xi32> to vector<16xi32>
        %gather3A_784 = tpu.dynamic_gather %add3A_778[%gather3A_783] in [0] : vector<16xf32>, vector<16xi32> -> vector<16xf32>
        %add3A_785 = arith.addf %add3A_778, %gather3A_784 : vector<16xf32>
        %xor3A_786 = arith.constant 8 : i32
        %xor3A_787 = vector.broadcast %xor3A_786 : i32 to vector<16xi32>
        %xor3A_788 = arith.xori %iota3A, %xor3A_787 : vector<16xi32>
        %broadcast_in_dim3A_789 = vector.shape_cast %xor3A_788 : vector<16xi32> to vector<16x1xi32>
        %gather3A_790 = vector.shape_cast %broadcast_in_dim3A_789 : vector<16x1xi32> to vector<16xi32>
        %gather3A_791 = tpu.dynamic_gather %add3A_785[%gather3A_790] in [0] : vector<16xf32>, vector<16xi32> -> vector<16xf32>
        %add3A_792 = arith.addf %add3A_785, %gather3A_791 : vector<16xf32>
        %select_n3A_793 = arith.select %eq3A_760, %add3A_792, %select_n3A_693 : vector<16xi1>, vector<16xf32>
        %jit3A_794 = arith.constant 0xFF800000 : f32
        %broadcast_in_dim3A_795 = vector.broadcast %jit3A_794 : f32 to vector<16xf32>
        %select_n3A_796 = arith.select %eq3A_757, %broadcast_in_dim3A_795, %select_n3A_696 : vector<16xi1>, vector<16xf32>
        %xor3A_797 = arith.constant 1 : i32
        %xor3A_798 = vector.broadcast %xor3A_797 : i32 to vector<16xi32>
        %xor3A_799 = arith.xori %iota3A, %xor3A_798 : vector<16xi32>
        %broadcast_in_dim3A_800 = vector.shape_cast %xor3A_799 : vector<16xi32> to vector<16x1xi32>
        %gather3A_801 = vector.shape_cast %broadcast_in_dim3A_800 : vector<16x1xi32> to vector<16xi32>
        %gather3A_802 = tpu.dynamic_gather %select_n3A_796[%gather3A_801] in [0] : vector<16xf32>, vector<16xi32> -> vector<16xf32>
        %max3A_803 = arith.maximumf %select_n3A_796, %gather3A_802 : vector<16xf32>
        %xor3A_804 = arith.constant 2 : i32
        %xor3A_805 = vector.broadcast %xor3A_804 : i32 to vector<16xi32>
        %xor3A_806 = arith.xori %iota3A, %xor3A_805 : vector<16xi32>
        %broadcast_in_dim3A_807 = vector.shape_cast %xor3A_806 : vector<16xi32> to vector<16x1xi32>
        %gather3A_808 = vector.shape_cast %broadcast_in_dim3A_807 : vector<16x1xi32> to vector<16xi32>
        %gather3A_809 = tpu.dynamic_gather %max3A_803[%gather3A_808] in [0] : vector<16xf32>, vector<16xi32> -> vector<16xf32>
        %max3A_810 = arith.maximumf %max3A_803, %gather3A_809 : vector<16xf32>
        %xor3A_811 = arith.constant 4 : i32
        %xor3A_812 = vector.broadcast %xor3A_811 : i32 to vector<16xi32>
        %xor3A_813 = arith.xori %iota3A, %xor3A_812 : vector<16xi32>
        %broadcast_in_dim3A_814 = vector.shape_cast %xor3A_813 : vector<16xi32> to vector<16x1xi32>
        %gather3A_815 = vector.shape_cast %broadcast_in_dim3A_814 : vector<16x1xi32> to vector<16xi32>
        %gather3A_816 = tpu.dynamic_gather %max3A_810[%gather3A_815] in [0] : vector<16xf32>, vector<16xi32> -> vector<16xf32>
        %max3A_817 = arith.maximumf %max3A_810, %gather3A_816 : vector<16xf32>
        %xor3A_818 = arith.constant 8 : i32
        %xor3A_819 = vector.broadcast %xor3A_818 : i32 to vector<16xi32>
        %xor3A_820 = arith.xori %iota3A, %xor3A_819 : vector<16xi32>
        %broadcast_in_dim3A_821 = vector.shape_cast %xor3A_820 : vector<16xi32> to vector<16x1xi32>
        %gather3A_822 = vector.shape_cast %broadcast_in_dim3A_821 : vector<16x1xi32> to vector<16xi32>
        %gather3A_823 = tpu.dynamic_gather %max3A_817[%gather3A_822] in [0] : vector<16xf32>, vector<16xi32> -> vector<16xf32>
        %max3A_824 = arith.maximumf %max3A_817, %gather3A_823 : vector<16xf32>
        %eq3A_825 = arith.cmpf oeq, %select_n3A_796, %max3A_824 : vector<16xf32>
        %jit3A_826 = arith.constant 16 : i32
        %broadcast_in_dim3A_827 = vector.broadcast %jit3A_826 : i32 to vector<16xi32>
        %select_n3A_828 = arith.select %eq3A_825, %iota3A, %broadcast_in_dim3A_827 : vector<16xi1>, vector<16xi32>
        %xor3A_829 = arith.constant 1 : i32
        %xor3A_830 = vector.broadcast %xor3A_829 : i32 to vector<16xi32>
        %xor3A_831 = arith.xori %iota3A, %xor3A_830 : vector<16xi32>
        %broadcast_in_dim3A_832 = vector.shape_cast %xor3A_831 : vector<16xi32> to vector<16x1xi32>
        %gather3A_833 = vector.shape_cast %broadcast_in_dim3A_832 : vector<16x1xi32> to vector<16xi32>
        %gather3A_834 = tpu.dynamic_gather %select_n3A_828[%gather3A_833] in [0] : vector<16xi32>, vector<16xi32> -> vector<16xi32>
        %min3A_835 = arith.minsi %select_n3A_828, %gather3A_834 : vector<16xi32>
        %xor3A_836 = arith.constant 2 : i32
        %xor3A_837 = vector.broadcast %xor3A_836 : i32 to vector<16xi32>
        %xor3A_838 = arith.xori %iota3A, %xor3A_837 : vector<16xi32>
        %broadcast_in_dim3A_839 = vector.shape_cast %xor3A_838 : vector<16xi32> to vector<16x1xi32>
        %gather3A_840 = vector.shape_cast %broadcast_in_dim3A_839 : vector<16x1xi32> to vector<16xi32>
        %gather3A_841 = tpu.dynamic_gather %min3A_835[%gather3A_840] in [0] : vector<16xi32>, vector<16xi32> -> vector<16xi32>
        %min3A_842 = arith.minsi %min3A_835, %gather3A_841 : vector<16xi32>
        %xor3A_843 = arith.constant 4 : i32
        %xor3A_844 = vector.broadcast %xor3A_843 : i32 to vector<16xi32>
        %xor3A_845 = arith.xori %iota3A, %xor3A_844 : vector<16xi32>
        %broadcast_in_dim3A_846 = vector.shape_cast %xor3A_845 : vector<16xi32> to vector<16x1xi32>
        %gather3A_847 = vector.shape_cast %broadcast_in_dim3A_846 : vector<16x1xi32> to vector<16xi32>
        %gather3A_848 = tpu.dynamic_gather %min3A_842[%gather3A_847] in [0] : vector<16xi32>, vector<16xi32> -> vector<16xi32>
        %min3A_849 = arith.minsi %min3A_842, %gather3A_848 : vector<16xi32>
        %xor3A_850 = arith.constant 8 : i32
        %xor3A_851 = vector.broadcast %xor3A_850 : i32 to vector<16xi32>
        %xor3A_852 = arith.xori %iota3A, %xor3A_851 : vector<16xi32>
        %broadcast_in_dim3A_853 = vector.shape_cast %xor3A_852 : vector<16xi32> to vector<16x1xi32>
        %gather3A_854 = vector.shape_cast %broadcast_in_dim3A_853 : vector<16x1xi32> to vector<16xi32>
        %gather3A_855 = tpu.dynamic_gather %min3A_849[%gather3A_854] in [0] : vector<16xi32>, vector<16xi32> -> vector<16xi32>
        %min3A_856 = arith.minsi %min3A_849, %gather3A_855 : vector<16xi32>
        %eq3A_857 = arith.cmpi eq, %iota3A, %min3A_856 : vector<16xi32>
        %eq3A_858 = arith.constant 6 : i32
        %eq3A_859 = vector.broadcast %eq3A_858 : i32 to vector<16xi32>
        %eq3A_860 = arith.cmpi eq, %iota3A, %eq3A_859 : vector<16xi32>
        %select_n3A_861 = arith.select %eq3A_860, %min3A_856, %select_n3A_761 : vector<16xi1>, vector<16xi32>
        %jit3A_862 = arith.constant 0.000000e+00 : f32
        %broadcast_in_dim3A_863 = vector.broadcast %jit3A_862 : f32 to vector<16xf32>
        %select_n3A_864 = arith.select %eq3A_857, %div3A_191, %broadcast_in_dim3A_863 : vector<16xi1>, vector<16xf32>
        %xor3A_865 = arith.constant 1 : i32
        %xor3A_866 = vector.broadcast %xor3A_865 : i32 to vector<16xi32>
        %xor3A_867 = arith.xori %iota3A, %xor3A_866 : vector<16xi32>
        %broadcast_in_dim3A_868 = vector.shape_cast %xor3A_867 : vector<16xi32> to vector<16x1xi32>
        %gather3A_869 = vector.shape_cast %broadcast_in_dim3A_868 : vector<16x1xi32> to vector<16xi32>
        %gather3A_870 = tpu.dynamic_gather %select_n3A_864[%gather3A_869] in [0] : vector<16xf32>, vector<16xi32> -> vector<16xf32>
        %add3A_871 = arith.addf %select_n3A_864, %gather3A_870 : vector<16xf32>
        %xor3A_872 = arith.constant 2 : i32
        %xor3A_873 = vector.broadcast %xor3A_872 : i32 to vector<16xi32>
        %xor3A_874 = arith.xori %iota3A, %xor3A_873 : vector<16xi32>
        %broadcast_in_dim3A_875 = vector.shape_cast %xor3A_874 : vector<16xi32> to vector<16x1xi32>
        %gather3A_876 = vector.shape_cast %broadcast_in_dim3A_875 : vector<16x1xi32> to vector<16xi32>
        %gather3A_877 = tpu.dynamic_gather %add3A_871[%gather3A_876] in [0] : vector<16xf32>, vector<16xi32> -> vector<16xf32>
        %add3A_878 = arith.addf %add3A_871, %gather3A_877 : vector<16xf32>
        %xor3A_879 = arith.constant 4 : i32
        %xor3A_880 = vector.broadcast %xor3A_879 : i32 to vector<16xi32>
        %xor3A_881 = arith.xori %iota3A, %xor3A_880 : vector<16xi32>
        %broadcast_in_dim3A_882 = vector.shape_cast %xor3A_881 : vector<16xi32> to vector<16x1xi32>
        %gather3A_883 = vector.shape_cast %broadcast_in_dim3A_882 : vector<16x1xi32> to vector<16xi32>
        %gather3A_884 = tpu.dynamic_gather %add3A_878[%gather3A_883] in [0] : vector<16xf32>, vector<16xi32> -> vector<16xf32>
        %add3A_885 = arith.addf %add3A_878, %gather3A_884 : vector<16xf32>
        %xor3A_886 = arith.constant 8 : i32
        %xor3A_887 = vector.broadcast %xor3A_886 : i32 to vector<16xi32>
        %xor3A_888 = arith.xori %iota3A, %xor3A_887 : vector<16xi32>
        %broadcast_in_dim3A_889 = vector.shape_cast %xor3A_888 : vector<16xi32> to vector<16x1xi32>
        %gather3A_890 = vector.shape_cast %broadcast_in_dim3A_889 : vector<16x1xi32> to vector<16xi32>
        %gather3A_891 = tpu.dynamic_gather %add3A_885[%gather3A_890] in [0] : vector<16xf32>, vector<16xi32> -> vector<16xf32>
        %add3A_892 = arith.addf %add3A_885, %gather3A_891 : vector<16xf32>
        %select_n3A_893 = arith.select %eq3A_860, %add3A_892, %select_n3A_793 : vector<16xi1>, vector<16xf32>
        %jit3A_894 = arith.constant 0xFF800000 : f32
        %broadcast_in_dim3A_895 = vector.broadcast %jit3A_894 : f32 to vector<16xf32>
        %select_n3A_896 = arith.select %eq3A_857, %broadcast_in_dim3A_895, %select_n3A_796 : vector<16xi1>, vector<16xf32>
        %xor3A_897 = arith.constant 1 : i32
        %xor3A_898 = vector.broadcast %xor3A_897 : i32 to vector<16xi32>
        %xor3A_899 = arith.xori %iota3A, %xor3A_898 : vector<16xi32>
        %broadcast_in_dim3A_900 = vector.shape_cast %xor3A_899 : vector<16xi32> to vector<16x1xi32>
        %gather3A_901 = vector.shape_cast %broadcast_in_dim3A_900 : vector<16x1xi32> to vector<16xi32>
        %gather3A_902 = tpu.dynamic_gather %select_n3A_896[%gather3A_901] in [0] : vector<16xf32>, vector<16xi32> -> vector<16xf32>
        %max3A_903 = arith.maximumf %select_n3A_896, %gather3A_902 : vector<16xf32>
        %xor3A_904 = arith.constant 2 : i32
        %xor3A_905 = vector.broadcast %xor3A_904 : i32 to vector<16xi32>
        %xor3A_906 = arith.xori %iota3A, %xor3A_905 : vector<16xi32>
        %broadcast_in_dim3A_907 = vector.shape_cast %xor3A_906 : vector<16xi32> to vector<16x1xi32>
        %gather3A_908 = vector.shape_cast %broadcast_in_dim3A_907 : vector<16x1xi32> to vector<16xi32>
        %gather3A_909 = tpu.dynamic_gather %max3A_903[%gather3A_908] in [0] : vector<16xf32>, vector<16xi32> -> vector<16xf32>
        %max3A_910 = arith.maximumf %max3A_903, %gather3A_909 : vector<16xf32>
        %xor3A_911 = arith.constant 4 : i32
        %xor3A_912 = vector.broadcast %xor3A_911 : i32 to vector<16xi32>
        %xor3A_913 = arith.xori %iota3A, %xor3A_912 : vector<16xi32>
        %broadcast_in_dim3A_914 = vector.shape_cast %xor3A_913 : vector<16xi32> to vector<16x1xi32>
        %gather3A_915 = vector.shape_cast %broadcast_in_dim3A_914 : vector<16x1xi32> to vector<16xi32>
        %gather3A_916 = tpu.dynamic_gather %max3A_910[%gather3A_915] in [0] : vector<16xf32>, vector<16xi32> -> vector<16xf32>
        %max3A_917 = arith.maximumf %max3A_910, %gather3A_916 : vector<16xf32>
        %xor3A_918 = arith.constant 8 : i32
        %xor3A_919 = vector.broadcast %xor3A_918 : i32 to vector<16xi32>
        %xor3A_920 = arith.xori %iota3A, %xor3A_919 : vector<16xi32>
        %broadcast_in_dim3A_921 = vector.shape_cast %xor3A_920 : vector<16xi32> to vector<16x1xi32>
        %gather3A_922 = vector.shape_cast %broadcast_in_dim3A_921 : vector<16x1xi32> to vector<16xi32>
        %gather3A_923 = tpu.dynamic_gather %max3A_917[%gather3A_922] in [0] : vector<16xf32>, vector<16xi32> -> vector<16xf32>
        %max3A_924 = arith.maximumf %max3A_917, %gather3A_923 : vector<16xf32>
        %eq3A_925 = arith.cmpf oeq, %select_n3A_896, %max3A_924 : vector<16xf32>
        %jit3A_926 = arith.constant 16 : i32
        %broadcast_in_dim3A_927 = vector.broadcast %jit3A_926 : i32 to vector<16xi32>
        %select_n3A_928 = arith.select %eq3A_925, %iota3A, %broadcast_in_dim3A_927 : vector<16xi1>, vector<16xi32>
        %xor3A_929 = arith.constant 1 : i32
        %xor3A_930 = vector.broadcast %xor3A_929 : i32 to vector<16xi32>
        %xor3A_931 = arith.xori %iota3A, %xor3A_930 : vector<16xi32>
        %broadcast_in_dim3A_932 = vector.shape_cast %xor3A_931 : vector<16xi32> to vector<16x1xi32>
        %gather3A_933 = vector.shape_cast %broadcast_in_dim3A_932 : vector<16x1xi32> to vector<16xi32>
        %gather3A_934 = tpu.dynamic_gather %select_n3A_928[%gather3A_933] in [0] : vector<16xi32>, vector<16xi32> -> vector<16xi32>
        %min3A_935 = arith.minsi %select_n3A_928, %gather3A_934 : vector<16xi32>
        %xor3A_936 = arith.constant 2 : i32
        %xor3A_937 = vector.broadcast %xor3A_936 : i32 to vector<16xi32>
        %xor3A_938 = arith.xori %iota3A, %xor3A_937 : vector<16xi32>
        %broadcast_in_dim3A_939 = vector.shape_cast %xor3A_938 : vector<16xi32> to vector<16x1xi32>
        %gather3A_940 = vector.shape_cast %broadcast_in_dim3A_939 : vector<16x1xi32> to vector<16xi32>
        %gather3A_941 = tpu.dynamic_gather %min3A_935[%gather3A_940] in [0] : vector<16xi32>, vector<16xi32> -> vector<16xi32>
        %min3A_942 = arith.minsi %min3A_935, %gather3A_941 : vector<16xi32>
        %xor3A_943 = arith.constant 4 : i32
        %xor3A_944 = vector.broadcast %xor3A_943 : i32 to vector<16xi32>
        %xor3A_945 = arith.xori %iota3A, %xor3A_944 : vector<16xi32>
        %broadcast_in_dim3A_946 = vector.shape_cast %xor3A_945 : vector<16xi32> to vector<16x1xi32>
        %gather3A_947 = vector.shape_cast %broadcast_in_dim3A_946 : vector<16x1xi32> to vector<16xi32>
        %gather3A_948 = tpu.dynamic_gather %min3A_942[%gather3A_947] in [0] : vector<16xi32>, vector<16xi32> -> vector<16xi32>
        %min3A_949 = arith.minsi %min3A_942, %gather3A_948 : vector<16xi32>
        %xor3A_950 = arith.constant 8 : i32
        %xor3A_951 = vector.broadcast %xor3A_950 : i32 to vector<16xi32>
        %xor3A_952 = arith.xori %iota3A, %xor3A_951 : vector<16xi32>
        %broadcast_in_dim3A_953 = vector.shape_cast %xor3A_952 : vector<16xi32> to vector<16x1xi32>
        %gather3A_954 = vector.shape_cast %broadcast_in_dim3A_953 : vector<16x1xi32> to vector<16xi32>
        %gather3A_955 = tpu.dynamic_gather %min3A_949[%gather3A_954] in [0] : vector<16xi32>, vector<16xi32> -> vector<16xi32>
        %min3A_956 = arith.minsi %min3A_949, %gather3A_955 : vector<16xi32>
        %eq3A_957 = arith.cmpi eq, %iota3A, %min3A_956 : vector<16xi32>
        %eq3A_958 = arith.constant 7 : i32
        %eq3A_959 = vector.broadcast %eq3A_958 : i32 to vector<16xi32>
        %eq3A_960 = arith.cmpi eq, %iota3A, %eq3A_959 : vector<16xi32>
        %select_n3A_961 = arith.select %eq3A_960, %min3A_956, %select_n3A_861 : vector<16xi1>, vector<16xi32>
        %jit3A_962 = arith.constant 0.000000e+00 : f32
        %broadcast_in_dim3A_963 = vector.broadcast %jit3A_962 : f32 to vector<16xf32>
        %select_n3A_964 = arith.select %eq3A_957, %div3A_191, %broadcast_in_dim3A_963 : vector<16xi1>, vector<16xf32>
        %xor3A_965 = arith.constant 1 : i32
        %xor3A_966 = vector.broadcast %xor3A_965 : i32 to vector<16xi32>
        %xor3A_967 = arith.xori %iota3A, %xor3A_966 : vector<16xi32>
        %broadcast_in_dim3A_968 = vector.shape_cast %xor3A_967 : vector<16xi32> to vector<16x1xi32>
        %gather3A_969 = vector.shape_cast %broadcast_in_dim3A_968 : vector<16x1xi32> to vector<16xi32>
        %gather3A_970 = tpu.dynamic_gather %select_n3A_964[%gather3A_969] in [0] : vector<16xf32>, vector<16xi32> -> vector<16xf32>
        %add3A_971 = arith.addf %select_n3A_964, %gather3A_970 : vector<16xf32>
        %xor3A_972 = arith.constant 2 : i32
        %xor3A_973 = vector.broadcast %xor3A_972 : i32 to vector<16xi32>
        %xor3A_974 = arith.xori %iota3A, %xor3A_973 : vector<16xi32>
        %broadcast_in_dim3A_975 = vector.shape_cast %xor3A_974 : vector<16xi32> to vector<16x1xi32>
        %gather3A_976 = vector.shape_cast %broadcast_in_dim3A_975 : vector<16x1xi32> to vector<16xi32>
        %gather3A_977 = tpu.dynamic_gather %add3A_971[%gather3A_976] in [0] : vector<16xf32>, vector<16xi32> -> vector<16xf32>
        %add3A_978 = arith.addf %add3A_971, %gather3A_977 : vector<16xf32>
        %xor3A_979 = arith.constant 4 : i32
        %xor3A_980 = vector.broadcast %xor3A_979 : i32 to vector<16xi32>
        %xor3A_981 = arith.xori %iota3A, %xor3A_980 : vector<16xi32>
        %broadcast_in_dim3A_982 = vector.shape_cast %xor3A_981 : vector<16xi32> to vector<16x1xi32>
        %gather3A_983 = vector.shape_cast %broadcast_in_dim3A_982 : vector<16x1xi32> to vector<16xi32>
        %gather3A_984 = tpu.dynamic_gather %add3A_978[%gather3A_983] in [0] : vector<16xf32>, vector<16xi32> -> vector<16xf32>
        %add3A_985 = arith.addf %add3A_978, %gather3A_984 : vector<16xf32>
        %xor3A_986 = arith.constant 8 : i32
        %xor3A_987 = vector.broadcast %xor3A_986 : i32 to vector<16xi32>
        %xor3A_988 = arith.xori %iota3A, %xor3A_987 : vector<16xi32>
        %broadcast_in_dim3A_989 = vector.shape_cast %xor3A_988 : vector<16xi32> to vector<16x1xi32>
        %gather3A_990 = vector.shape_cast %broadcast_in_dim3A_989 : vector<16x1xi32> to vector<16xi32>
        %gather3A_991 = tpu.dynamic_gather %add3A_985[%gather3A_990] in [0] : vector<16xf32>, vector<16xi32> -> vector<16xf32>
        %add3A_992 = arith.addf %add3A_985, %gather3A_991 : vector<16xf32>
        %select_n3A_993 = arith.select %eq3A_960, %add3A_992, %select_n3A_893 : vector<16xi1>, vector<16xf32>
        %jit3A_994 = arith.constant 0xFF800000 : f32
        %broadcast_in_dim3A_995 = vector.broadcast %jit3A_994 : f32 to vector<16xf32>
        %select_n3A_996 = arith.select %eq3A_957, %broadcast_in_dim3A_995, %select_n3A_896 : vector<16xi1>, vector<16xf32>
        %xor3A_997 = arith.constant 1 : i32
        %xor3A_998 = vector.broadcast %xor3A_997 : i32 to vector<16xi32>
        %xor3A_999 = arith.xori %iota3A, %xor3A_998 : vector<16xi32>
        %broadcast_in_dim3A_1000 = vector.shape_cast %xor3A_999 : vector<16xi32> to vector<16x1xi32>
        %gather3A_1001 = vector.shape_cast %broadcast_in_dim3A_1000 : vector<16x1xi32> to vector<16xi32>
        %gather3A_1002 = tpu.dynamic_gather %select_n3A_993[%gather3A_1001] in [0] : vector<16xf32>, vector<16xi32> -> vector<16xf32>
        %add3A_1003 = arith.addf %select_n3A_993, %gather3A_1002 : vector<16xf32>
        %xor3A_1004 = arith.constant 2 : i32
        %xor3A_1005 = vector.broadcast %xor3A_1004 : i32 to vector<16xi32>
        %xor3A_1006 = arith.xori %iota3A, %xor3A_1005 : vector<16xi32>
        %broadcast_in_dim3A_1007 = vector.shape_cast %xor3A_1006 : vector<16xi32> to vector<16x1xi32>
        %gather3A_1008 = vector.shape_cast %broadcast_in_dim3A_1007 : vector<16x1xi32> to vector<16xi32>
        %gather3A_1009 = tpu.dynamic_gather %add3A_1003[%gather3A_1008] in [0] : vector<16xf32>, vector<16xi32> -> vector<16xf32>
        %add3A_1010 = arith.addf %add3A_1003, %gather3A_1009 : vector<16xf32>
        %xor3A_1011 = arith.constant 4 : i32
        %xor3A_1012 = vector.broadcast %xor3A_1011 : i32 to vector<16xi32>
        %xor3A_1013 = arith.xori %iota3A, %xor3A_1012 : vector<16xi32>
        %broadcast_in_dim3A_1014 = vector.shape_cast %xor3A_1013 : vector<16xi32> to vector<16x1xi32>
        %gather3A_1015 = vector.shape_cast %broadcast_in_dim3A_1014 : vector<16x1xi32> to vector<16xi32>
        %gather3A_1016 = tpu.dynamic_gather %add3A_1010[%gather3A_1015] in [0] : vector<16xf32>, vector<16xi32> -> vector<16xf32>
        %add3A_1017 = arith.addf %add3A_1010, %gather3A_1016 : vector<16xf32>
        %xor3A_1018 = arith.constant 8 : i32
        %xor3A_1019 = vector.broadcast %xor3A_1018 : i32 to vector<16xi32>
        %xor3A_1020 = arith.xori %iota3A, %xor3A_1019 : vector<16xi32>
        %broadcast_in_dim3A_1021 = vector.shape_cast %xor3A_1020 : vector<16xi32> to vector<16x1xi32>
        %gather3A_1022 = vector.shape_cast %broadcast_in_dim3A_1021 : vector<16x1xi32> to vector<16xi32>
        %gather3A_1023 = tpu.dynamic_gather %add3A_1017[%gather3A_1022] in [0] : vector<16xf32>, vector<16xi32> -> vector<16xf32>
        %add3A_1024 = arith.addf %add3A_1017, %gather3A_1023 : vector<16xf32>
        %add3A_1025 = arith.constant 9.99999968E-21 : f32
        %add3A_1026 = vector.broadcast %add3A_1025 : f32 to vector<16xf32>
        %add3A_1027 = arith.addf %add3A_1024, %add3A_1026 : vector<16xf32>
        %div3A_1028 = arith.constant 2.500000e+00 : f32
        %div3A_1029 = vector.broadcast %div3A_1028 : f32 to vector<16xf32>
        %div3A_1030 = arith.divf %div3A_1029, %add3A_1027 : vector<16xf32>
        %mul3A = arith.mulf %select_n3A_993, %div3A_1030 : vector<16xf32>
        %swap3A_1031 = arith.constant 0 : index
        %swap3A_1032 = tpu.vector_load %arg12[%swap3A_1031] {strides = array<i32>} : memref<16xi32, #tpu.memory_space<vmem>>, vector<16xi32>,
        %swap3A_1033 = vector.shape_cast %swap3A_1032 : vector<16xi32> to vector<16xi32>
        %swap3A_1034 = vector.shape_cast %select_n3A_961 : vector<16xi32> to vector<16xi32>
        tpu.vector_store %arg12[%swap3A_1031], %swap3A_1034 {strides = array<i32>} : memref<16xi32, #tpu.memory_space<vmem>>, vector<16xi32>,
        %swap3A_1035 = arith.constant 0 : index
        %swap3A_1036 = tpu.vector_load %arg13[%swap3A_1035] {strides = array<i32>} : memref<16xf32, #tpu.memory_space<vmem>>, vector<16xf32>,
        %swap3A_1037 = vector.shape_cast %swap3A_1036 : vector<16xf32> to vector<16xf32>
        %swap3A_1038 = vector.shape_cast %mul3A : vector<16xf32> to vector<16xf32>
        tpu.vector_store %arg13[%swap3A_1035], %swap3A_1038 {strides = array<i32>} : memref<16xf32, #tpu.memory_space<vmem>>, vector<16xf32>,
        "tpu.region"() ({
          %run_scoped3A = tpu.sem_alloc : memref<!tpu.dma_semaphore, #tpu.memory_space<semaphore_mem>>
          tpu.enqueue_dma source(%arg12 : memref<16xi32, #tpu.memory_space<vmem>>) target(%arg5 : memref<16xi32, #tpu.memory_space<hbm>>) target_semaphore(%run_scoped3A : memref<!tpu.dma_semaphore, #tpu.memory_space<semaphore_mem>>)
          tpu.wait_dma2 semaphore(%run_scoped3A : memref<!tpu.dma_semaphore, #tpu.memory_space<semaphore_mem>>) src(%arg12 : memref<16xi32, #tpu.memory_space<vmem>>) dst(%arg5 : memref<16xi32, #tpu.memory_space<hbm>>)
          tpu.yield
        }) : () -> ()
        "tpu.region"() ({
          %run_scoped3A = tpu.sem_alloc : memref<!tpu.dma_semaphore, #tpu.memory_space<semaphore_mem>>
          tpu.enqueue_dma source(%arg13 : memref<16xf32, #tpu.memory_space<vmem>>) target(%arg6 : memref<16xf32, #tpu.memory_space<hbm>>) target_semaphore(%run_scoped3A : memref<!tpu.dma_semaphore, #tpu.memory_space<semaphore_mem>>)
          tpu.wait_dma2 semaphore(%run_scoped3A : memref<!tpu.dma_semaphore, #tpu.memory_space<semaphore_mem>>) src(%arg13 : memref<16xf32, #tpu.memory_space<vmem>>) dst(%arg6 : memref<16xf32, #tpu.memory_space<hbm>>)
          tpu.yield
        }) : () -> ()
      } else {
      }
    } else {
    }
    return
  }
}

module attributes {stable_mosaic.version = 14 : i64} {
  func.func @_routed_body(%arg0: i32, %arg1: i32, %arg2: memref<1x16xi32, #tpu.memory_space<smem>>, %arg3: memref<1x16xf32, #tpu.memory_space<smem>>, %arg4: memref<1x2048xf32, #tpu.memory_space<vmem>>, %arg5: memref<1x2048xf32, #tpu.memory_space<vmem>>, %arg6: memref<1x512x2048xf32, #tpu.memory_space<vmem>>, %arg7: memref<1x512x2048xf32, #tpu.memory_space<vmem>>, %arg8: memref<1x2048x512xf32, #tpu.memory_space<vmem>>, %arg9: memref<1x2048xf32, #tpu.memory_space<vmem>>) attributes {dimension_semantics = [#tpu.dimension_semantics<arbitrary>, #tpu.dimension_semantics<arbitrary>], iteration_bounds = array<i64: 8, 2>, scalar_prefetch = 2 : i64, scratch_operands = 0 : i64, tpu.core_type = #tpu.core_type<tc>, window_params = [{pipeline_mode = #tpu.pipeline_mode<synchronous>, transform_indices = @transform_0, window_bounds = array<i64: 1, 2048>}, {pipeline_mode = #tpu.pipeline_mode<synchronous>, transform_indices = @transform_1, window_bounds = array<i64: 1, 2048>}, {transform_indices = @transform_2, window_bounds = array<i64: 1, 512, 2048>}, {transform_indices = @transform_3, window_bounds = array<i64: 1, 512, 2048>}, {transform_indices = @transform_4, window_bounds = array<i64: 1, 2048, 512>}, {pipeline_mode = #tpu.pipeline_mode<synchronous>, transform_indices = @transform_5, window_bounds = array<i64: 1, 2048>}]} {
    %eq3A = arith.constant 0 : i32
    %eq3A_0 = arith.cmpi eq, %arg0, %eq3A : i32
    %eq3A_1 = arith.constant 0 : i32
    %eq3A_2 = arith.cmpi eq, %arg1, %eq3A_1 : i32
    %and3A = arith.andi %eq3A_0, %eq3A_2 : i1
    %convert_element_type3A = arith.extui %and3A : i1 to i32
    %cond3A = arith.constant 0 : i32
    %cond3A_3 = arith.cmpi ne, %convert_element_type3A, %cond3A : i32
    scf.if %cond3A_3 {
      %get3A_42 = arith.constant 0 : index
      %get3A_43 = arith.constant 0 : index
      %get3A_44 = vector.load %arg5[%get3A_42, %get3A_43] : memref<1x2048xf32, #tpu.memory_space<vmem>>, vector<1x2048xf32>
      %swap3A_45 = arith.constant 0 : index
      %swap3A_46 = arith.constant 0 : index
      %swap3A_47 = vector.load %arg9[%swap3A_45, %swap3A_46] : memref<1x2048xf32, #tpu.memory_space<vmem>>, vector<1x2048xf32>
      tpu.vector_store %arg9[%swap3A_45, %swap3A_46], %get3A_44 {strides = array<i32>} : memref<1x2048xf32, #tpu.memory_space<vmem>>, vector<1x2048xf32>,
    } else {
    }
    %get3A = arith.constant 0 : index
    %get3A_4 = arith.constant 0 : index
    %get3A_5 = vector.load %arg4[%get3A, %get3A_4] : memref<1x2048xf32, #tpu.memory_space<vmem>>, vector<1x2048xf32>
    %get3A_6 = arith.constant 0 : index
    %get3A_7 = arith.constant 0 : index
    %get3A_8 = arith.constant 0 : index
    %get3A_9 = vector.load %arg6[%get3A_6, %get3A_7, %get3A_8] : memref<1x512x2048xf32, #tpu.memory_space<vmem>>, vector<1x512x2048xf32>
    %get3A_10 = vector.shape_cast %get3A_9 : vector<1x512x2048xf32> to vector<512x2048xf32>
    %dot_general3A = arith.constant dense<0.000000e+00> : vector<1x512xf32>
    %dot_general3A_11 = tpu.matmul %get3A_5, %get3A_10, %dot_general3A {dimension_numbers = #tpu.dot_dimension_numbers<[1], [1], [0], [0], [0, 0, 1, 0], [], []>, transpose_lhs_hint = false} : vector<1x2048xf32>, vector<512x2048xf32>, vector<1x512xf32> -> vector<1x512xf32>
    %get3A_12 = arith.constant 0 : index
    %get3A_13 = arith.constant 0 : index
    %get3A_14 = arith.constant 0 : index
    %get3A_15 = vector.load %arg7[%get3A_12, %get3A_13, %get3A_14] : memref<1x512x2048xf32, #tpu.memory_space<vmem>>, vector<1x512x2048xf32>
    %get3A_16 = vector.shape_cast %get3A_15 : vector<1x512x2048xf32> to vector<512x2048xf32>
    %dot_general3A_17 = arith.constant dense<0.000000e+00> : vector<1x512xf32>
    %dot_general3A_18 = tpu.matmul %get3A_5, %get3A_16, %dot_general3A_17 {dimension_numbers = #tpu.dot_dimension_numbers<[1], [1], [0], [0], [0, 0, 1, 0], [], []>, transpose_lhs_hint = false} : vector<1x2048xf32>, vector<512x2048xf32>, vector<1x512xf32> -> vector<1x512xf32>
    %logistic3A = arith.negf %dot_general3A_11 : vector<1x512xf32>
    %logistic3A_19 = math.exp %logistic3A : vector<1x512xf32>
    %logistic3A_20 = arith.constant 1.000000e+00 : f32
    %logistic3A_21 = vector.broadcast %logistic3A_20 : f32 to vector<1x512xf32>
    %logistic3A_22 = arith.addf %logistic3A_21, %logistic3A_19 : vector<1x512xf32>
    %logistic3A_23 = arith.divf %logistic3A_21, %logistic3A_22 : vector<1x512xf32>
    %mul3A = arith.mulf %dot_general3A_11, %logistic3A_23 : vector<1x512xf32>
    %mul3A_24 = arith.mulf %mul3A, %dot_general3A_18 : vector<1x512xf32>
    %get3A_25 = arith.constant 0 : index
    %get3A_26 = arith.index_cast %arg0 : i32 to index
    %get3A_27 = memref.load %arg3[%get3A_25, %get3A_26] : memref<1x16xf32, #tpu.memory_space<smem>>
    %mul3A_28 = vector.broadcast %get3A_27 : f32 to vector<1x512xf32>
    %mul3A_29 = arith.mulf %mul3A_24, %mul3A_28 : vector<1x512xf32>
    %get3A_30 = arith.constant 0 : index
    %get3A_31 = arith.constant 0 : index
    %get3A_32 = vector.load %arg9[%get3A_30, %get3A_31] : memref<1x2048xf32, #tpu.memory_space<vmem>>, vector<1x2048xf32>
    %get3A_33 = arith.constant 0 : index
    %get3A_34 = arith.constant 0 : index
    %get3A_35 = arith.constant 0 : index
    %get3A_36 = vector.load %arg8[%get3A_33, %get3A_34, %get3A_35] : memref<1x2048x512xf32, #tpu.memory_space<vmem>>, vector<1x2048x512xf32>
    %get3A_37 = vector.shape_cast %get3A_36 : vector<1x2048x512xf32> to vector<2048x512xf32>
    %dot_general3A_38 = arith.constant dense<0.000000e+00> : vector<1x2048xf32>
    %dot_general3A_39 = tpu.matmul %mul3A_29, %get3A_37, %dot_general3A_38 {dimension_numbers = #tpu.dot_dimension_numbers<[1], [1], [0], [0], [0, 0, 1, 0], [], []>, transpose_lhs_hint = false} : vector<1x512xf32>, vector<2048x512xf32>, vector<1x2048xf32> -> vector<1x2048xf32>
    %add3A = arith.addf %get3A_32, %dot_general3A_39 : vector<1x2048xf32>
    %swap3A = arith.constant 0 : index
    %swap3A_40 = arith.constant 0 : index
    %swap3A_41 = vector.load %arg9[%swap3A, %swap3A_40] : memref<1x2048xf32, #tpu.memory_space<vmem>>, vector<1x2048xf32>
    tpu.vector_store %arg9[%swap3A, %swap3A_40], %add3A {strides = array<i32>} : memref<1x2048xf32, #tpu.memory_space<vmem>>, vector<1x2048xf32>,
    return
  }
  func.func @transform_0(%arg0: i32, %arg1: i32, %arg2: memref<1x16xi32, #tpu.memory_space<smem>>, %arg3: memref<1x16xf32, #tpu.memory_space<smem>>) -> (i32, i32) {
    %c0_i32 = arith.constant 0 : i32
    %c0_i32_0 = arith.constant 0 : i32
    %c0_i32_1 = arith.constant 0 : i32
    return %c0_i32, %c0_i32_0 : i32, i32
  }
  func.func @transform_1(%arg0: i32, %arg1: i32, %arg2: memref<1x16xi32, #tpu.memory_space<smem>>, %arg3: memref<1x16xf32, #tpu.memory_space<smem>>) -> (i32, i32) {
    %c0_i32 = arith.constant 0 : i32
    %c0_i32_0 = arith.constant 0 : i32
    %c0_i32_1 = arith.constant 0 : i32
    return %c0_i32, %c0_i32_0 : i32, i32
  }
  func.func @transform_2(%arg0: i32, %arg1: i32, %arg2: memref<1x16xi32, #tpu.memory_space<smem>>, %arg3: memref<1x16xf32, #tpu.memory_space<smem>>) -> (i32, i32, i32) {
    %get3A = arith.constant 0 : index
    %get3A_0 = arith.index_cast %arg0 : i32 to index
    %get3A_1 = memref.load %arg2[%get3A, %get3A_0] : memref<1x16xi32, #tpu.memory_space<smem>>
    %c0_i32 = arith.constant 0 : i32
    %c0_i32_2 = arith.constant 0 : i32
    return %get3A_1, %arg1, %c0_i32 : i32, i32, i32
  }
  func.func @transform_3(%arg0: i32, %arg1: i32, %arg2: memref<1x16xi32, #tpu.memory_space<smem>>, %arg3: memref<1x16xf32, #tpu.memory_space<smem>>) -> (i32, i32, i32) {
    %get3A = arith.constant 0 : index
    %get3A_0 = arith.index_cast %arg0 : i32 to index
    %get3A_1 = memref.load %arg2[%get3A, %get3A_0] : memref<1x16xi32, #tpu.memory_space<smem>>
    %c0_i32 = arith.constant 0 : i32
    %c0_i32_2 = arith.constant 0 : i32
    return %get3A_1, %arg1, %c0_i32 : i32, i32, i32
  }
  func.func @transform_4(%arg0: i32, %arg1: i32, %arg2: memref<1x16xi32, #tpu.memory_space<smem>>, %arg3: memref<1x16xf32, #tpu.memory_space<smem>>) -> (i32, i32, i32) {
    %get3A = arith.constant 0 : index
    %get3A_0 = arith.index_cast %arg0 : i32 to index
    %get3A_1 = memref.load %arg2[%get3A, %get3A_0] : memref<1x16xi32, #tpu.memory_space<smem>>
    %c0_i32 = arith.constant 0 : i32
    %c0_i32_2 = arith.constant 0 : i32
    return %get3A_1, %c0_i32, %arg1 : i32, i32, i32
  }
  func.func @transform_5(%arg0: i32, %arg1: i32, %arg2: memref<1x16xi32, #tpu.memory_space<smem>>, %arg3: memref<1x16xf32, #tpu.memory_space<smem>>) -> (i32, i32) {
    %c0_i32 = arith.constant 0 : i32
    %c0_i32_0 = arith.constant 0 : i32
    %c0_i32_1 = arith.constant 0 : i32
    return %c0_i32, %c0_i32_0 : i32, i32
  }
}

module attributes {stable_mosaic.version = 14 : i64} {
  func.func @_shared_body(%arg0: i32, %arg1: memref<1x2048xf32, #tpu.memory_space<vmem>>, %arg2: memref<512x2048xf32, #tpu.memory_space<vmem>>, %arg3: memref<512x2048xf32, #tpu.memory_space<vmem>>, %arg4: memref<2048x512xf32, #tpu.memory_space<vmem>>, %arg5: memref<1x2048xf32, #tpu.memory_space<vmem>>) attributes {dimension_semantics = [#tpu.dimension_semantics<arbitrary>], iteration_bounds = array<i64: 4>, scalar_prefetch = 0 : i64, scratch_operands = 0 : i64, tpu.core_type = #tpu.core_type<tc>, window_params = [{pipeline_mode = #tpu.pipeline_mode<synchronous>, transform_indices = @transform_0, window_bounds = array<i64: 1, 2048>}, {transform_indices = @transform_1, window_bounds = array<i64: 512, 2048>}, {transform_indices = @transform_2, window_bounds = array<i64: 512, 2048>}, {transform_indices = @transform_3, window_bounds = array<i64: 2048, 512>}, {pipeline_mode = #tpu.pipeline_mode<synchronous>, transform_indices = @transform_4, window_bounds = array<i64: 1, 2048>}]} {
    %get3A = arith.constant 0 : index
    %get3A_0 = arith.constant 0 : index
    %get3A_1 = vector.load %arg1[%get3A, %get3A_0] : memref<1x2048xf32, #tpu.memory_space<vmem>>, vector<1x2048xf32>
    %eq3A = arith.constant 0 : i32
    %eq3A_2 = arith.cmpi eq, %arg0, %eq3A : i32
    %convert_element_type3A = arith.extui %eq3A_2 : i1 to i32
    %cond3A = arith.constant 0 : i32
    %cond3A_3 = arith.cmpi ne, %convert_element_type3A, %cond3A : i32
    scf.if %cond3A_3 {
      %broadcast_in_dim3A = arith.constant 0.000000e+00 : f32
      %broadcast_in_dim3A_29 = vector.broadcast %broadcast_in_dim3A : f32 to vector<1x2048xf32>
      %swap3A_30 = arith.constant 0 : index
      %swap3A_31 = arith.constant 0 : index
      %swap3A_32 = vector.load %arg5[%swap3A_30, %swap3A_31] : memref<1x2048xf32, #tpu.memory_space<vmem>>, vector<1x2048xf32>
      tpu.vector_store %arg5[%swap3A_30, %swap3A_31], %broadcast_in_dim3A_29 {strides = array<i32>} : memref<1x2048xf32, #tpu.memory_space<vmem>>, vector<1x2048xf32>,
    } else {
    }
    %get3A_4 = arith.constant 0 : index
    %get3A_5 = arith.constant 0 : index
    %get3A_6 = vector.load %arg2[%get3A_4, %get3A_5] : memref<512x2048xf32, #tpu.memory_space<vmem>>, vector<512x2048xf32>
    %dot_general3A = arith.constant dense<0.000000e+00> : vector<1x512xf32>
    %dot_general3A_7 = tpu.matmul %get3A_1, %get3A_6, %dot_general3A {dimension_numbers = #tpu.dot_dimension_numbers<[1], [1], [0], [0], [0, 0, 1, 0], [], []>, transpose_lhs_hint = false} : vector<1x2048xf32>, vector<512x2048xf32>, vector<1x512xf32> -> vector<1x512xf32>
    %get3A_8 = arith.constant 0 : index
    %get3A_9 = arith.constant 0 : index
    %get3A_10 = vector.load %arg3[%get3A_8, %get3A_9] : memref<512x2048xf32, #tpu.memory_space<vmem>>, vector<512x2048xf32>
    %dot_general3A_11 = arith.constant dense<0.000000e+00> : vector<1x512xf32>
    %dot_general3A_12 = tpu.matmul %get3A_1, %get3A_10, %dot_general3A_11 {dimension_numbers = #tpu.dot_dimension_numbers<[1], [1], [0], [0], [0, 0, 1, 0], [], []>, transpose_lhs_hint = false} : vector<1x2048xf32>, vector<512x2048xf32>, vector<1x512xf32> -> vector<1x512xf32>
    %logistic3A = arith.negf %dot_general3A_7 : vector<1x512xf32>
    %logistic3A_13 = math.exp %logistic3A : vector<1x512xf32>
    %logistic3A_14 = arith.constant 1.000000e+00 : f32
    %logistic3A_15 = vector.broadcast %logistic3A_14 : f32 to vector<1x512xf32>
    %logistic3A_16 = arith.addf %logistic3A_15, %logistic3A_13 : vector<1x512xf32>
    %logistic3A_17 = arith.divf %logistic3A_15, %logistic3A_16 : vector<1x512xf32>
    %mul3A = arith.mulf %dot_general3A_7, %logistic3A_17 : vector<1x512xf32>
    %mul3A_18 = arith.mulf %mul3A, %dot_general3A_12 : vector<1x512xf32>
    %get3A_19 = arith.constant 0 : index
    %get3A_20 = arith.constant 0 : index
    %get3A_21 = vector.load %arg5[%get3A_19, %get3A_20] : memref<1x2048xf32, #tpu.memory_space<vmem>>, vector<1x2048xf32>
    %get3A_22 = arith.constant 0 : index
    %get3A_23 = arith.constant 0 : index
    %get3A_24 = vector.load %arg4[%get3A_22, %get3A_23] : memref<2048x512xf32, #tpu.memory_space<vmem>>, vector<2048x512xf32>
    %dot_general3A_25 = arith.constant dense<0.000000e+00> : vector<1x2048xf32>
    %dot_general3A_26 = tpu.matmul %mul3A_18, %get3A_24, %dot_general3A_25 {dimension_numbers = #tpu.dot_dimension_numbers<[1], [1], [0], [0], [0, 0, 1, 0], [], []>, transpose_lhs_hint = false} : vector<1x512xf32>, vector<2048x512xf32>, vector<1x2048xf32> -> vector<1x2048xf32>
    %add3A = arith.addf %get3A_21, %dot_general3A_26 : vector<1x2048xf32>
    %swap3A = arith.constant 0 : index
    %swap3A_27 = arith.constant 0 : index
    %swap3A_28 = vector.load %arg5[%swap3A, %swap3A_27] : memref<1x2048xf32, #tpu.memory_space<vmem>>, vector<1x2048xf32>
    tpu.vector_store %arg5[%swap3A, %swap3A_27], %add3A {strides = array<i32>} : memref<1x2048xf32, #tpu.memory_space<vmem>>, vector<1x2048xf32>,
    return
  }
  func.func @transform_0(%arg0: i32) -> (i32, i32) {
    %c0_i32 = arith.constant 0 : i32
    %c0_i32_0 = arith.constant 0 : i32
    %c0_i32_1 = arith.constant 0 : i32
    return %c0_i32, %c0_i32_0 : i32, i32
  }
  func.func @transform_1(%arg0: i32) -> (i32, i32) {
    %c0_i32 = arith.constant 0 : i32
    %c0_i32_0 = arith.constant 0 : i32
    return %arg0, %c0_i32 : i32, i32
  }
  func.func @transform_2(%arg0: i32) -> (i32, i32) {
    %c0_i32 = arith.constant 0 : i32
    %c0_i32_0 = arith.constant 0 : i32
    return %arg0, %c0_i32 : i32, i32
  }
  func.func @transform_3(%arg0: i32) -> (i32, i32) {
    %c0_i32 = arith.constant 0 : i32
    %c0_i32_0 = arith.constant 0 : i32
    return %c0_i32, %arg0 : i32, i32
  }
  func.func @transform_4(%arg0: i32) -> (i32, i32) {
    %c0_i32 = arith.constant 0 : i32
    %c0_i32_0 = arith.constant 0 : i32
    %c0_i32_1 = arith.constant 0 : i32
    return %c0_i32, %c0_i32_0 : i32, i32
  }
}

</mosaic_0001>

<sc_bundles>
// kernel: _run.5.cloned.1.call-start
scs
__scs_entry_jumppad:
0x0: {  	(pc) =	sbr.rel $0x88, $3  }
0x1: {  	(tag) =	ssettag $0x0;
	lr =	simm.s32 $0x1  }
0x2: {  	[smem:$0x3F98] =	sst lr;
	_ =	strace $0xD0000000  }
0x3: {  	_ = 	snop  }
0x4: {  	_ = 	snop  }
0x5: {  	_ = 	snop  }
0x6: {  	_ = 	snop  }
0x7: {  	_ = 	snop  }
__scs_overlays_trampoline_lowered:
0x8: {  	[smem:$0x3FA7] =	sst s0  }
0x9: {  	[smem:$0x3FA8] =	sst s1  }
0xa: {  	[smem:$0x3FA9] =	sst s2  }
0xb: {  	[smem:$0x3FAA] =	sst s3  }
0xc: {  	[smem:$0x3FAB] =	sst s4  }
0xd: {  	[smem:$0x3FAC] =	sst s5  }
0xe: {  	[smem:$0x3FAD] =	sst s6  }
0xf: {  	[smem:$0x3FAE] =	sst s7  }
0x10: {  	[smem:$0x3FAF] =	sst s8  }
0x11: {  	[smem:$0x3FB0] =	sst s9;
	s0 =	simm.s32 @!p0 $0x0  }
0x12: {  	s1 =	sld [smem:$0x3F96];
	s0 =	simm.s32 @p0 $0x1  }
0x13: {  	[smem:$0x3FB1] =	sst s0;
	s0 =	simm.s32 @!p1 $0x0  }
0x14: {  	s2 =	sld [smem:$0x3F95];
	s0 =	simm.s32 @p1 $0x1  }
0x15: {  	[smem:$0x3FB2] =	sst s0;
	s0 =	simm.s32 @!p2 $0x0  }
0x16: {  	s3 =	sld [smem:$0x3FDB];
	s0 =	simm.s32 @p2 $0x1  }
0x17: {  	s4 =	simm.s32 $0x1BF5;
	[smem:$0x3FB4] =	sst s0  }
0x18: {  	s0 =	sld [smem:$0x3F97];
	_ =	swait.ge [sflag:s4], $0x0  }
0x19: {  	s7 =	sld [smem:$0x3F98]  }
0x1a: {  	s8 =	sadd.s32 $0xFFFFE003, lr  }
0x1b: {  	s9 =	sadd.s32 $0xFFFFFEF7, lr;
	s5 =	simm.s32 $0xFFFFFFFF;
	p2 =	slt.u32 s8, $0xFFFFF086  }
0x1c: {  	p1 =	slt.u32 s9, $0xF7A;
	s5 =	simm.s32 @!p2 $0x0  }
0x1d: {  	s5 =	simm.s32 @p1 $0x1;
	p0 =	seq.s32 s7, s2  }
0x1e: {  	s7 =	smul.u32 @!p0 $0xF7A, s2;
	p2 =	seq.s32 @!p0 s5, $0x0  }
0x1f: {  	s9 =	smul.u32 $0xF7A, s1;
	s8 =	simm.s32 @!p0 $0x1BF5;
	p2 =	por !p2, p0  }
0x20: {  	[sflag:s8] =	ssyncset.s32 @!p0 $0xFFFFF086;
	s6 =	sadd.s32 @!p0 s3, s7;
	s7 =	simm.s32 @!p0 $0x108  }
0x21: {  	s3 =	sadd.s32 s3, s9;
	s6 =	sadd.s32 @!p0 $0x88, s6;
	s7 =	simm.s32 @p2 $0x1082  }
0x22: {  	[simem:s7], [sflag:s8] =	dma.local @!p0 [hbm:s6], $0xF7A  }
0x23: {  	s9 =	sor.u32 $0xD0000000, s2;
	s6 =	simm.s32 $0x108;
	_ =	swait.ge @!p0 [sflag:s8], $0x0  }
0x24: {  	s3 =	sadd.s32 $0x88, s3;
	s6 =	simm.s32 @!p1 $0x1082;
	[sflag:s4] =	ssyncset.s32 $0xFFFFF086  }
0x25: {  	[simem:s6], [sflag:s4] =	dma.local [hbm:s3], $0xF7A  }
0x26: {  	[smem:$0x3F98] =	sst s1;
	(tag) =	ssettag s2;
	_ =	strace s9  }
0x27: {  	s1 =	sld [smem:$0x3FA8]  }
0x28: {  	s2 =	sld [smem:$0x3FA9]  }
0x29: {  	s4 =	sld [smem:$0x3FAB]  }
0x2a: {  	p0 =	seq.s32 s5, $0x0;
	s5 =	sld [smem:$0x3FAC]  }
0x2b: {  	s6 =	sld [smem:$0x3FAD]  }
0x2c: {  	s7 =	sld [smem:$0x3FAE]  }
0x2d: {  	s3 =	simm.s32 $0x108;
	s8 =	sld [smem:$0x3FAF]  }
0x2e: {  	s3 =	simm.s32 @!p0 $0x1082;
	s9 =	sld [smem:$0x3FB0]  }
0x2f: {  	lr =	sadd.s32 s0, s3;
	s0 =	sld [smem:$0x3FA7]  }
0x30: {  	s3 =	sld [smem:$0x3FAA]  }
0x31: {  	[smem:$0x3FB3] =	sst s10  }
0x32: {  	s10 =	sld [smem:$0x3FB1];
	_ =	sdelay $0x3  }
0x33: {  	p0 =	seq.s32 s10, $0x1;
	s10 =	sld [smem:$0x3FB3];
	_ =	sdelay $0x3  }
0x34: {  	[smem:$0x3FB3] =	sst s10  }
0x35: {  	s10 =	sld [smem:$0x3FB2];
	_ =	sdelay $0x3  }
0x36: {  	p1 =	seq.s32 s10, $0x1;
	s10 =	sld [smem:$0x3FB3];
	_ =	sdelay $0x3  }
0x37: {  	[smem:$0x3FB3] =	sst s10  }
0x38: {  	s10 =	sld [smem:$0x3FB4]  }
0x39: {  	_ = 	snop;
	(pc) =	sbr.ind lr, $3  }
0x3a: {  	_ = 	snop  }
0x3b: {  	_ = 	snop  }
0x3c: {  	p2 =	seq.s32 s10, $0x1;
	s10 =	sld [smem:$0x3FB3]  }
0x3d: {  	_ =	shalt  }
0x3e: {  	_ =	shalt  }
0x3f: {  	_ =	shalt  }
0x40: {  	_ =	shalt  }
0x41: {  	_ =	shalt  }
0x42: {  	_ =	shalt  }
0x43: {  	_ =	shalt  }
0x44: {  	_ =	shalt  }
0x45: {  	_ =	shalt  }
0x46: {  	_ =	shalt  }
0x47: {  	_ =	shalt  }
0x48: {  	_ =	shalt  }
0x49: {  	_ =	shalt  }
0x4a: {  	_ =	shalt  }
0x4b: {  	_ =	shalt  }
0x4c: {  	_ =	shalt  }
0x4d: {  	_ =	shalt  }
0x4e: {  	_ =	shalt  }
0x4f: {  	_ =	shalt  }
0x50: {  	_ =	shalt  }
0x51: {  	_ =	shalt  }
0x52: {  	_ =	shalt  }
0x53: {  	_ =	shalt  }
0x54: {  	_ =	shalt  }
0x55: {  	_ =	shalt  }
0x56: {  	_ =	shalt  }
0x57: {  	_ =	shalt  }
0x58: {  	_ =	shalt  }
0x59: {  	_ =	shalt  }
0x5a: {  	_ =	shalt  }
0x5b: {  	_ =	shalt  }
0x5c: {  	_ =	shalt  }
0x5d: {  	_ =	shalt  }
0x5e: {  	_ =	shalt  }
0x5f: {  	_ =	shalt  }
0x60: {  	_ =	shalt  }
0x61: {  	_ =	shalt  }
0x62: {  	_ =	shalt  }
0x63: {  	_ =	shalt  }
0x64: {  	_ =	shalt  }
0x65: {  	_ =	shalt  }
0x66: {  	_ =	shalt  }
0x67: {  	_ =	shalt  }
0x68: {  	_ =	shalt  }
0x69: {  	_ =	shalt  }
0x6a: {  	_ =	shalt  }
0x6b: {  	_ =	shalt  }
0x6c: {  	_ =	shalt  }
0x6d: {  	_ =	shalt  }
0x6e: {  	_ =	shalt  }
0x6f: {  	_ =	shalt  }
0x70: {  	_ =	shalt  }
0x71: {  	_ =	shalt  }
0x72: {  	_ =	shalt  }
0x73: {  	_ =	shalt  }
0x74: {  	_ =	shalt  }
0x75: {  	_ =	shalt  }
0x76: {  	_ =	shalt  }
0x77: {  	_ =	shalt  }
0x78: {  	_ =	shalt  }
0x79: {  	_ =	shalt  }
0x7a: {  	_ =	shalt  }
0x7b: {  	_ =	shalt  }
0x7c: {  	_ =	shalt  }
0x7d: {  	_ =	shalt  }
0x7e: {  	_ =	shalt  }
0x7f: {  	_ =	shalt  }
0x80: {  	_ =	shalt  }
0x81: {  	_ =	shalt  }
0x82: {  	_ =	shalt  }
0x83: {  	_ =	shalt  }
0x84: {  	_ =	shalt  }
0x85: {  	_ =	shalt  }
0x86: {  	_ =	shalt  }
0x87: {  	_ =	shalt  }
.Lfunc_end0:
.L_simem_size_0:
called_computation_lowered:
.L_overlay_start_0:
0x88: {  	s2 =	sld [smem:$0x3FD9]  }
0x89: {  	s3 =	sld [smem:$0x3FFE];
	_ =	sdelay $0x1  }
0x8a: {  	s1 =	srdreg.scid  }
0x8b: {  	s0 =	sand.u32 $0x1, s1  }
0x8c: {  	s17 =	sshll.u32 s0, $0xA;
	s2 =	sadd.s32 s3, s2  }
0x8d: {  	s2 =	sadd.s32 s2, s17  }
0x8e: {  	[smem:$0x3FBF] =	sst s2  }
0x8f: {  	_ = 	snop  }
0x90: {  	s2 =	sld [smem:$0x3FC9]  }
0x91: {  	s18 =	sld [smem:$0x3FC8]  }
0x92: {  	s4 =	sld [smem:$0x3FC7]  }
0x93: {  	s5 =	sld [smem:$0x3FD0];
	(tm) =	ssettm $0x1  }
0x94: {  	s6 =	sld [smem:$0x3FFB];
	_ =	sdelay $0x3  }
0x95: {  	_ =	strace s6  }
0x96: {  	s6 =	sld [smem:$0x3FFC];
	_ =	sdelay $0x3  }
0x97: {  	_ =	strace s6  }
0x98: {  	s6 =	sld [smem:$0x3FFD];
	_ =	sdelay $0x3  }
0x99: {  	_ =	strace s6  }
0x9a: {  	_ =	strace $0x8FFFFFFF  }
0x9b: {  	s19 =	sld [smem:$0x3FDB];
	_ =	sdelay $0x1  }
0x9c: {  	s7 =	simm.s32 $_scs_section_size  }
0x9d: {  	s8 =	simm.s32 $_size__tile_overlayer_lowered;
	s9 =	simm.s32 $_tile_overlayer_lowered  }
0x9e: {  	s22 =	simm.s32 $0x1BFF;
	s21 =	sshll.u32 s9, $0x1;
	s6 =	sadd.s32 s7, s19  }
0x9f: {  	s10 =	simm.s32 $0x0;
	s20 =	sshll.u32 s8, $0x1;
	s8 =	sadd.s32 s21, s6  }
0xa0: {  	[timem:s10], [sflag:s22] =	dma.local [hbm:s8], s20  }
0xa1: {  	_ =	swait.ge [sflag:s22], s20  }
0xa2: {  	s7 =	ssub.s32 $0x0, s20;
	[sflag:s22] =	ssyncset.done $0x0  }
0xa3: {  	[sflag:s22] =	ssyncadd.s32 s7;
	_ =	sdelay $0x1  }
0xa4: {  	s23 =	simm.s32 $0x1B8B  }
0xa5: {  	_ =	swait.ge [sflag:s23], $0x1  }
0xa6: {  	[sflag:s23] =	ssyncset.done $0x0  }
0xa7: {  	s25 =	simm.s32 $0x1B8E;
	s24 =	sld [smem:$0x3FFE];
	[sflag:s23] =	ssyncadd.s32 $0xFFFFFFFF  }
0xa8: {  	s26 =	simm.s32 $execute0_lowered;
	[smem:$0x3FD2] =	sst s25  }
0xa9: {  	s8 =	sshll.u32 s26, $0x1;
	_ =	strace $0x80000046;
	[dreg:$0x1] =	wrdreg $0xFFFFFFFF  }
0xaa: {  	s28 =	simm.s32 $_size_execute0_lowered;
	s6 =	sadd.s32 s6, s8;
	[dreg:$0x0] =	wrdreg $0x0  }
0xab: {  	s8 =	sshll.u32 s28, $0x1;
	[dreg:$0x2] =	wrdreg s6  }
0xac: {  	[dreg:$0x3] =	wrdreg s8  }
0xad: {  	[dreg:$0x4] =	wrdreg $0xC0  }
0xae: {  	_ =	task [dreg:s10], $0x5FFFF  }
0xaf: {  	[dreg:$0x1] =	wrdreg $0xFFFFFFFF  }
0xb0: {  	[dreg:$0x0] =	wrdreg $0x60  }
0xb1: {  	[dreg:$0x2] =	wrdreg s2  }
0xb2: {  	[dreg:$0x3] =	wrdreg s18  }
0xb3: {  	[dreg:$0x4] =	wrdreg s4  }
0xb4: {  	[dreg:$0x5] =	wrdreg s5  }
0xb5: {  	[dreg:$0x6] =	wrdreg s24  }
0xb6: {  	[dreg:$0x7] =	wrdreg $0x1A000  }
0xb7: {  	[dreg:$0x8] =	wrdreg $0x9  }
0xb8: {  	_ =	task.clear_ibuf [dreg:s10], $0x9FFFF;
	_ =	strace $0x90000046  }
0xb9: {  	s29 =	simm.s32 $0x9;
	_ =	strace $0x80000048  }
0xba: {  	_ =	swait.ge [sflag:s29], $0x1  }
0xbb: {  	[sflag:s29] =	ssyncadd.s32 $0xFFFFFFFF  }
0xbc: {  	_ =	strace $0x90000048  }
0xbd: {  	_ =	sfence  }
0xbe: {  	s30 =	sld [smem:$0x0];
	_ =	sdelay $0x2  }
0xbf: {  	s31 =	sshll.u32 s1, $0xD;
	s1 =	sshrl.u32 s1, $0x2  }
0xc0: {  	s3 =	sand.u32 $0x4000, s31;
	s1 =	sadd.s32 s1, s30  }
0xc1: {  	s0 =	sor.u32 s3, s0;
	s1 =	sshll.u32 s1, $0x11  }
0xc2: {  	s0 =	sor.u32 s1, s0  }
0xc3: {  	s0 =	sadd.s32 $0x8F2B, s0  }
0xc4: {  	[sflag:s0] =	ssyncadd.remote.s32 $0x1  }
0xc5: {  	_ =	sfence.sel $0xFFFF  }
0xc6: {  	[dreg:$0x0] =	wrdreg $0xFFFFFFFF;
	(pc) =	sbr.abs _section_cstart, $3  }
0xc7: {  	[dreg:$0x1] =	wrdreg $0xFFFFFFFF  }
0xc8: {  	_ =	task.clear_ibuf [dreg:s10], $0x2FFFF;
	_ =	strace $0x9FFFFFFF  }
0xc9: {  	(tm) =	ssettm $0x7FFFFFFF  }
tec
execute0_lowered:
.L_overlay_start_1:
0x0: {  	(tag) =	ssettag $0x1  }
0x1: {  	s4 =	rddreg [dreg:$0x0];
	s1 =	srdreg.scid  }
0x2: {  	s8 =	rddreg [dreg:$0x1];
	s1 =	sand.u32 $0x1, s1  }
0x3: {  	s6 =	rddreg [dreg:$0x2];
	p0 =	seq.s32 s1, $0x1  }
.Ltmp0:
0x4: {  	s2 =	rddreg [dreg:$0x3];
	(pc) =	sbr.rel @p0 .LBB2_5-.Ltmp0, $4  }
0x5: {  	s3 =	rddreg [dreg:$0x4]  }
0x6: {  	s5 =	rddreg [dreg:$0x5];
	s7 =	simm.s32 $0x0  }
0x7: {  	[smem:$0x7FF] =	sst s7  }
0x8: {  	s0 =	rddreg [dreg:$0x6];
	_ =	strace $0x80000047;
	s1 =	stileid.u32  }
0x9: {  	s9 =	sshll.u32 s1, $0x4  }
0xa: {  	s10 =	sshll.u32 s1, $0x8;
	s9 =	sand.u32 $0x70, s9  }
0xb: {  	s25 =	simm.s32 $0x80;
	s24 =	sand.u32 $0x800, s10;
	s8 =	sadd.s32 s8, s9  }
0xc: {  	s26 =	simm.s32 $0x400;
	s28 =	simm.s32 $0x1;
	s8 =	sadd.s32 s24, s8  }
0xd: {  	[tilespmem:s7], [sflag:$0x1] =	stream.strided.gather [hbm4b:s8+s25], $0x800, s26, s25, $0x38;
	[tilespmem:$0x1A10] =	vst v63  }
0xe: {  	_ =	swait.ge [sflag:s28], $0x800  }
0xf: {  	[sflag:s28] =	ssyncset.done $0x0  }
0x10: {  	s29 =	simm.s32 $0x800;
	[sflag:s28] =	ssyncadd.s32 $0xFFFFF800  }
0x11: {  	[tilespmem:s29], [sflag:$0x1] =	stream.linear.gather [hbm4b:s4+s7], $0x800, $0x38;
	[tilespmem:$0x1A10] =	vst v63  }
0x12: {  	_ =	swait.ge [sflag:s28], $0x800  }
0x13: {  	[sflag:s28] =	ssyncset.done $0x0  }
0x14: {  	s30 =	simm.s32 $0x0;
	[sflag:s28] =	ssyncadd.s32 $0xFFFFF800  }
0x15: {  	s31 =	sshll.u32 s1, $0x7;
	v1 =	vld [tilespmem:s30+$0x0]  }
0x16: {  	s3 =	sadd.s32 $0x1000, s3;
	v0 =	vimm.f32 $0.0e+00;
	s4 =	sadd.s32 s31, s5;
	s7 =	simm.s32 $0x40;
	v2 =	vld [tilespmem:s30+$0x800]  }
.LBB2_2:
0x17: {  	_ = 	snop  }
0x18: {  	p0 =	sne.s32 s7, $0x1FC0  }
.Ltmp1:
0x19: {  	_ = 	snop;
	(pc) =	sbr.rel @p0 .LBB2_2-.Ltmp1, $4  }
0x1a: {  	_ = 	snop  }
0x1b: {  	s8 =	sshra.s32 s7, $0x2;
	v3 =	vmul.f32 v2, v1  }
0x1c: {  	v1 =	vld [tilespmem:s8+$0x0]  }
0x1d: {  	s7 =	sadd.s32 $0x40, s7;
	v2 =	vld [tilespmem:s8+$0x800];
	v0 =	vadd.f32 v3, v0  }
0x1e: {  	_ =	sdelay $0x1  }
0x1f: {  	v3 =	vimm.s32 $0xEFCDAB89;
	v4 =	vimm.s32 $0x67452301  }
0x20: {  	v3 =	vunpack.c.l.s4.s8 v3;
	v4 =	vunpack.c.l.s4.s8 v4  }
0x21: {  	v1 =	vmul.f32 v2, v1  }
0x22: {  	v2 =	vunpack.c.0.s8.s32 v3;
	v3 =	vunpack.c.0.s8.s32 v4  }
0x23: {  	v0 =	vadd.f32 v1, v0  }
0x24: {  	v1 =	vcombine.low v3, v2;
	v2 =	vimm.s32 $0xDCFE98BA;
	v3 =	vimm.s32 $0x54761032  }
0x25: {  	v2 =	vunpack.c.l.s4.s8 v2;
	v3 =	vunpack.c.l.s4.s8 v3  }
0x26: {  	v4 =	vperm.xlane v0, v1  }
0x27: {  	v2 =	vunpack.c.0.s8.s32 v2;
	v3 =	vunpack.c.0.s8.s32 v3  }
0x28: {  	v0 =	vadd.f32 v4, v0  }
0x29: {  	v4 =	vimm.s32 $0x32107654;
	v2 =	vcombine.low v3, v2;
	v3 =	vimm.s32 $0xBA98FEDC  }
0x2a: {  	v4 =	vunpack.c.l.s4.s8 v4;
	v3 =	vunpack.c.l.s4.s8 v3  }
0x2b: {  	v6 =	vimm.s32 $0xFEDCBA98  }
0x2c: {  	v5 =	vperm.xlane v0, v2;
	v4 =	vunpack.c.0.s8.s32 v4;
	v3 =	vunpack.c.0.s8.s32 v3  }
0x2d: {  	v7 =	vimm.s32 $0x76543210;
	v6 =	vunpack.c.l.s4.s8 v6  }
0x2e: {  	v0 =	vadd.f32 v5, v0;
	v3 =	vcombine.low v4, v3;
	v4 =	vunpack.c.l.s4.s8 v7  }
0x2f: {  	v5 =	vunpack.c.0.s8.s32 v6  }
0x30: {  	v63 =	vperm.xlane v0, v3;
	v4 =	vunpack.c.0.s8.s32 v4  }
0x31: {  	v5 =	vand.u32 $0xF, v5  }
0x32: {  	v6 =	vadd.f32 v63, v0;
	v0 =	vcombine.low v5, v4;
	_ =	sdelay $0x1  }
0x33: {  	v4 =	vperm.xlane v6, v0;
	_ =	sdelay $0x1  }
0x34: {  	v4 =	vadd.f32 v4, v6;
	_ =	sdelay $0x1  }
0x35: {  	s7 =	simm.s32 $0x1080;
	[tilespmem:$0x1080] =	vst v4  }
0x36: {  	[spmem:s4] =	stream.linear.scatter [tilespmem:s7], [sflag:$0x1], $0x80, $0x38;
	[tilespmem:$0x1A10] =	vst v63  }
0x37: {  	p0 =	sne.s32 s1, $0x0;
	s4 =	simm.s32 $0x1  }
.Ltmp2:
0x38: {  	_ =	swait.ge [sflag:s4], $0x80;
	(pc) =	sbr.rel @p0 .LBB2_5-.Ltmp2, $3  }
0x39: {  	[sflag:s4] =	ssyncset.done $0x0  }
0x3a: {  	[sflag:s4] =	ssyncadd.s32 $0xFFFFFF80  }
0x3b: {  	[bflag:$0x0] =	sbarrier.arrive $0xFFFF;
	_ =	sdelay $0x1  }
0x3c: {  	s7 =	simm.s32 $0x1100  }
0x3d: {  	[tilespmem:s7], [sflag:$0x1] =	stream.linear.gather [spmem:s5], $0x800, $0x38;
	[tilespmem:$0x1A10] =	vst v63  }
0x3e: {  	_ =	swait.ge [sflag:s4], $0x800  }
0x3f: {  	[sflag:s4] =	ssyncset.done $0x0  }
0x40: {  	s28 =	simm.s32 $0x0;
	s29 =	simm.s32 $0x1000;
	[sflag:s4] =	ssyncadd.s32 $0xFFFFF800  }
0x41: {  	[tilespmem:s29], [sflag:$0x1] =	stream.linear.gather [hbm4b:s6+s28], $0x80, $0x38;
	[tilespmem:$0x1A10] =	vst v63  }
0x42: {  	_ =	swait.ge [sflag:s4], $0x80  }
0x43: {  	[sflag:s4] =	ssyncset.done $0x0  }
0x44: {  	[sflag:s4] =	ssyncadd.s32 $0xFFFFFF80  }
0x45: {  	v4 =	vld [tilespmem:$0x1100]  }
0x46: {  	v5 =	vld [tilespmem:$0x1180]  }
0x47: {  	v6 =	vld [tilespmem:$0x1200]  }
0x48: {  	v7 =	vld [tilespmem:$0x1280]  }
0x49: {  	v8 =	vld [tilespmem:$0x1300]  }
0x4a: {  	vm0 =	vmmov $0x1;
	v9 =	vld [tilespmem:$0x1380]  }
0x4b: {  	vm1 =	vmmov $0x3;
	v39 =	vld [tilespmem:$0x1400];
	v4 =	vsel vm0, v4, v5  }
0x4c: {  	vm6 =	vmmov $0x7;
	v40 =	vld [tilespmem:$0x1480];
	v4 =	vsel vm1, v4, v6  }
0x4d: {  	vm7 =	vmmov $0xf;
	v41 =	vld [tilespmem:$0x1500];
	v4 =	vsel vm6, v4, v7  }
0x4e: {  	vm8 =	vmmov $0x1f;
	v42 =	vld [tilespmem:$0x1580];
	v4 =	vsel vm7, v4, v8  }
0x4f: {  	vm9 =	vmmov $0x3f;
	v43 =	vld [tilespmem:$0x1600];
	v4 =	vsel vm8, v4, v9  }
0x50: {  	vm10 =	vmmov $0x7f;
	v44 =	vld [tilespmem:$0x1680];
	v4 =	vsel vm9, v4, v39  }
0x51: {  	vm11 =	vmmov $0xff;
	v45 =	vld [tilespmem:$0x1700];
	v4 =	vsel vm10, v4, v40  }
0x52: {  	vm12 =	vmmov $0x1ff;
	v46 =	vld [tilespmem:$0x1780];
	v4 =	vsel vm11, v4, v41  }
0x53: {  	vm13 =	vmmov $0x3ff;
	v47 =	vld [tilespmem:$0x1800];
	v4 =	vsel vm12, v4, v42  }
0x54: {  	vm14 =	vmmov $0x7ff;
	v48 =	vld [tilespmem:$0x1880];
	v4 =	vsel vm13, v4, v43  }
0x55: {  	vm15 =	vmmov $0xfff;
	v4 =	vsel vm14, v4, v44  }
0x56: {  	vm4 =	vmmov $0x1fff;
	v4 =	vsel vm15, v4, v45  }
0x57: {  	vm5 =	vmmov $0x3fff;
	v4 =	vsel vm4, v4, v46  }
0x58: {  	vm6 =	vmmov $0x7fff;
	v4 =	vsel vm5, v4, v47  }
0x59: {  	v4 =	vsel vm6, v4, v48  }
0x5a: {  	v4 =	vsub.f32 $0.0e+00, v4;
	_ =	sdelay $0x1  }
0x5b: {  	v4 =	vmul.f32 $1.442695020e+00, v4;
	_ =	sdelay $0x1  }
0x5c: {  	(erf) = vpow2.f32 v4;
	_ =	sdelay $0x8  }
0x5d: {  	v4 =	vpop (erf)  }
0x5e: {  	v4 =	vadd.f32 $1.000000000e+00, v4;
	_ =	sdelay $0x1  }
0x5f: {  	(erf) = vrcp.f32 v4;
	_ =	sdelay $0x4  }
0x60: {  	v49 =	vld [tilespmem:$0x1000];
	_ =	sdelay $0x3  }
0x61: {  	v50 =	vpop (erf)  }
0x62: {  	v51 =	vadd.f32 v50, v49  }
0x63: {  	v1 =	vand.u32 $0xF, v1  }
0x64: {  	v4 =	vperm.xlane v51, v1;
	_ =	sdelay $0x1  }
0x65: {  	v2 =	vand.u32 $0xF, v2;
	v4 =	vmax.f32 v51, v4  }
0x66: {  	v52 =	vperm.xlane v4, v2;
	_ =	sdelay $0x1  }
0x67: {  	v3 =	vand.u32 $0xF, v3;
	v4 =	vmax.f32 v4, v52  }
0x68: {  	v7 =	vperm.xlane v4, v3;
	_ =	sdelay $0x1  }
0x69: {  	v4 =	vmax.f32 v4, v7  }
0x6a: {  	v7 =	vperm.xlane v4, v0;
	_ =	sdelay $0x1  }
0x6b: {  	v4 =	vmax.f32 v4, v7  }
0x6c: {  	v53 =	vlaneseq.u32;
	vm7 =	veq.f32 v51, v4  }
0x6d: {  	v4 =	vnsel vm7, $0x10, v53  }
0x6e: {  	v54 =	vperm.xlane v4, v1;
	_ =	sdelay $0x1  }
0x6f: {  	vm1 =	vlt.s32 v4, v54  }
0x70: {  	v4 =	vsel vm1, v4, v54  }
0x71: {  	v7 =	vperm.xlane v4, v2;
	_ =	sdelay $0x1  }
0x72: {  	vm1 =	vlt.s32 v4, v7  }
0x73: {  	v4 =	vsel vm1, v4, v7  }
0x74: {  	v7 =	vperm.xlane v4, v3;
	_ =	sdelay $0x1  }
0x75: {  	vm1 =	vlt.s32 v4, v7  }
0x76: {  	v4 =	vsel vm1, v4, v7  }
0x77: {  	v7 =	vperm.xlane v4, v0;
	_ =	sdelay $0x1  }
0x78: {  	vm1 =	vlt.s32 v4, v7  }
0x79: {  	v4 =	vsel vm1, v4, v7  }
0x7a: {  	vm1 =	veq.s32 v4, v53  }
0x7b: {  	v55 =	vsel vm1, $0xFF800000, v51  }
0x7c: {  	v5 =	vperm.xlane v55, v1;
	_ =	sdelay $0x1  }
0x7d: {  	v5 =	vmax.f32 v55, v5  }
0x7e: {  	v56 =	vperm.xlane v5, v2;
	_ =	sdelay $0x1  }
0x7f: {  	v5 =	vmax.f32 v5, v56  }
0x80: {  	v9 =	vperm.xlane v5, v3;
	_ =	sdelay $0x1  }
0x81: {  	v5 =	vmax.f32 v5, v9  }
0x82: {  	v9 =	vperm.xlane v5, v0;
	_ =	sdelay $0x1  }
0x83: {  	v5 =	vmax.f32 v5, v9  }
0x84: {  	vm2 =	veq.f32 v55, v5  }
0x85: {  	v5 =	vnsel vm2, $0x10, v53  }
0x86: {  	v57 =	vperm.xlane v5, v1;
	_ =	sdelay $0x1  }
0x87: {  	vm2 =	vlt.s32 v5, v57  }
0x88: {  	v5 =	vsel vm2, v5, v57  }
0x89: {  	v9 =	vperm.xlane v5, v2;
	_ =	sdelay $0x1  }
0x8a: {  	vm2 =	vlt.s32 v5, v9  }
0x8b: {  	v5 =	vsel vm2, v5, v9  }
0x8c: {  	v9 =	vperm.xlane v5, v3;
	_ =	sdelay $0x1  }
0x8d: {  	vm2 =	vlt.s32 v5, v9  }
0x8e: {  	v5 =	vsel vm2, v5, v9  }
0x8f: {  	v9 =	vperm.xlane v5, v0;
	_ =	sdelay $0x1  }
0x90: {  	vm2 =	vlt.s32 v5, v9  }
0x91: {  	v5 =	vsel vm2, v5, v9  }
0x92: {  	vm2 =	veq.s32 v5, v53  }
0x93: {  	v58 =	vsel vm2, $0xFF800000, v55  }
0x94: {  	v7 =	vperm.xlane v58, v1;
	_ =	sdelay $0x1  }
0x95: {  	v7 =	vmax.f32 v58, v7  }
0x96: {  	v10 =	vperm.xlane v7, v2;
	_ =	sdelay $0x1  }
0x97: {  	v7 =	vmax.f32 v7, v10  }
0x98: {  	v10 =	vperm.xlane v7, v3;
	_ =	sdelay $0x1  }
0x99: {  	v7 =	vmax.f32 v7, v10  }
0x9a: {  	v10 =	vperm.xlane v7, v0;
	_ =	sdelay $0x1  }
0x9b: {  	v7 =	vmax.f32 v7, v10  }
0x9c: {  	vm3 =	veq.f32 v58, v7  }
0x9d: {  	v7 =	vnsel vm3, $0x10, v53  }
0x9e: {  	v59 =	vperm.xlane v7, v1;
	_ =	sdelay $0x1  }
0x9f: {  	vm3 =	vlt.s32 v7, v59  }
0xa0: {  	v7 =	vsel vm3, v7, v59  }
0xa1: {  	v10 =	vperm.xlane v7, v2;
	_ =	sdelay $0x1  }
0xa2: {  	vm3 =	vlt.s32 v7, v10  }
0xa3: {  	v7 =	vsel vm3, v7, v10  }
0xa4: {  	v10 =	vperm.xlane v7, v3;
	_ =	sdelay $0x1  }
0xa5: {  	vm3 =	vlt.s32 v7, v10  }
0xa6: {  	v7 =	vsel vm3, v7, v10  }
0xa7: {  	v10 =	vperm.xlane v7, v0;
	_ =	sdelay $0x1  }
0xa8: {  	vm3 =	vlt.s32 v7, v10  }
0xa9: {  	v7 =	vsel vm3, v7, v10  }
0xaa: {  	vm3 =	veq.s32 v7, v53  }
0xab: {  	v60 =	vsel vm3, $0xFF800000, v58  }
0xac: {  	v9 =	vperm.xlane v60, v1;
	_ =	sdelay $0x1  }
0xad: {  	v9 =	vmax.f32 v60, v9  }
0xae: {  	v11 =	vperm.xlane v9, v2;
	_ =	sdelay $0x1  }
0xaf: {  	v9 =	vmax.f32 v9, v11  }
0xb0: {  	v11 =	vperm.xlane v9, v3;
	_ =	sdelay $0x1  }
0xb1: {  	v9 =	vmax.f32 v9, v11  }
0xb2: {  	v11 =	vperm.xlane v9, v0;
	_ =	sdelay $0x1  }
0xb3: {  	v9 =	vmax.f32 v9, v11  }
0xb4: {  	vm4 =	veq.f32 v60, v9  }
0xb5: {  	v9 =	vnsel vm4, $0x10, v53  }
0xb6: {  	v61 =	vperm.xlane v9, v1;
	_ =	sdelay $0x1  }
0xb7: {  	vm4 =	vlt.s32 v9, v61  }
0xb8: {  	v9 =	vsel vm4, v9, v61  }
0xb9: {  	v11 =	vperm.xlane v9, v2;
	_ =	sdelay $0x1  }
0xba: {  	vm4 =	vlt.s32 v9, v11  }
0xbb: {  	v9 =	vsel vm4, v9, v11  }
0xbc: {  	v11 =	vperm.xlane v9, v3;
	_ =	sdelay $0x1  }
0xbd: {  	vm4 =	vlt.s32 v9, v11  }
0xbe: {  	v9 =	vsel vm4, v9, v11  }
0xbf: {  	v11 =	vperm.xlane v9, v0;
	_ =	sdelay $0x1  }
0xc0: {  	vm4 =	vlt.s32 v9, v11  }
0xc1: {  	v9 =	vsel vm4, v9, v11  }
0xc2: {  	vm4 =	veq.s32 v9, v53  }
0xc3: {  	v62 =	vsel vm4, $0xFF800000, v60  }
0xc4: {  	v10 =	vperm.xlane v62, v1;
	_ =	sdelay $0x1  }
0xc5: {  	v10 =	vmax.f32 v62, v10  }
0xc6: {  	v12 =	vperm.xlane v10, v2;
	_ =	sdelay $0x1  }
0xc7: {  	v10 =	vmax.f32 v10, v12  }
0xc8: {  	v12 =	vperm.xlane v10, v3;
	_ =	sdelay $0x1  }
0xc9: {  	v10 =	vmax.f32 v10, v12  }
0xca: {  	v12 =	vperm.xlane v10, v0;
	_ =	sdelay $0x1  }
0xcb: {  	v10 =	vmax.f32 v10, v12  }
0xcc: {  	vm5 =	veq.f32 v62, v10  }
0xcd: {  	v10 =	vnsel vm5, $0x10, v53  }
0xce: {  	v63 =	vperm.xlane v10, v1;
	_ =	sdelay $0x1  }
0xcf: {  	vm5 =	vlt.s32 v10, v63  }
0xd0: {  	v10 =	vsel vm5, v10, v63  }
0xd1: {  	v12 =	vperm.xlane v10, v2;
	_ =	sdelay $0x1  }
0xd2: {  	vm5 =	vlt.s32 v10, v12  }
0xd3: {  	v10 =	vsel vm5, v10, v12  }
0xd4: {  	v12 =	vperm.xlane v10, v3;
	_ =	sdelay $0x1  }
0xd5: {  	vm5 =	vlt.s32 v10, v12  }
0xd6: {  	v10 =	vsel vm5, v10, v12  }
0xd7: {  	v12 =	vperm.xlane v10, v0;
	_ =	sdelay $0x1  }
0xd8: {  	vm5 =	vlt.s32 v10, v12  }
0xd9: {  	v10 =	vsel vm5, v10, v12  }
0xda: {  	vm5 =	veq.s32 v10, v53  }
0xdb: {  	v16 =	vsel vm5, $0xFF800000, v62  }
0xdc: {  	v11 =	vperm.xlane v16, v1;
	_ =	sdelay $0x1  }
0xdd: {  	v11 =	vmax.f32 v16, v11  }
0xde: {  	v13 =	vperm.xlane v11, v2;
	_ =	sdelay $0x1  }
0xdf: {  	v11 =	vmax.f32 v11, v13  }
0xe0: {  	v13 =	vperm.xlane v11, v3;
	_ =	sdelay $0x1  }
0xe1: {  	v11 =	vmax.f32 v11, v13  }
0xe2: {  	v13 =	vperm.xlane v11, v0;
	_ =	sdelay $0x1  }
0xe3: {  	v11 =	vmax.f32 v11, v13  }
0xe4: {  	vm6 =	veq.f32 v16, v11  }
0xe5: {  	v11 =	vnsel vm6, $0x10, v53  }
0xe6: {  	v17 =	vperm.xlane v11, v1;
	_ =	sdelay $0x1  }
0xe7: {  	vm6 =	vlt.s32 v11, v17  }
0xe8: {  	v11 =	vsel vm6, v11, v17  }
0xe9: {  	v13 =	vperm.xlane v11, v2;
	_ =	sdelay $0x1  }
0xea: {  	vm6 =	vlt.s32 v11, v13  }
0xeb: {  	v11 =	vsel vm6, v11, v13  }
0xec: {  	v13 =	vperm.xlane v11, v3;
	_ =	sdelay $0x1  }
0xed: {  	vm6 =	vlt.s32 v11, v13  }
0xee: {  	v11 =	vsel vm6, v11, v13  }
0xef: {  	v13 =	vperm.xlane v11, v0;
	_ =	sdelay $0x1  }
0xf0: {  	vm6 =	vlt.s32 v11, v13  }
0xf1: {  	v11 =	vsel vm6, v11, v13  }
0xf2: {  	vm6 =	veq.s32 v11, v53  }
0xf3: {  	v18 =	vsel vm6, $0xFF800000, v16  }
0xf4: {  	v12 =	vperm.xlane v18, v1;
	_ =	sdelay $0x1  }
0xf5: {  	v12 =	vmax.f32 v18, v12  }
0xf6: {  	v14 =	vperm.xlane v12, v2;
	_ =	sdelay $0x1  }
0xf7: {  	v12 =	vmax.f32 v12, v14  }
0xf8: {  	v14 =	vperm.xlane v12, v3;
	_ =	sdelay $0x1  }
0xf9: {  	v12 =	vmax.f32 v12, v14  }
0xfa: {  	v14 =	vperm.xlane v12, v0;
	_ =	sdelay $0x1  }
0xfb: {  	v12 =	vmax.f32 v12, v14  }
0xfc: {  	vm7 =	veq.f32 v18, v12  }
0xfd: {  	v12 =	vnsel vm7, $0x10, v53  }
0xfe: {  	v19 =	vperm.xlane v12, v1;
	_ =	sdelay $0x1  }
0xff: {  	vm7 =	vlt.s32 v12, v19  }
0x100: {  	v12 =	vsel vm7, v12, v19  }
0x101: {  	v14 =	vperm.xlane v12, v2;
	_ =	sdelay $0x1  }
0x102: {  	vm7 =	vlt.s32 v12, v14  }
0x103: {  	v12 =	vsel vm7, v12, v14  }
0x104: {  	v14 =	vperm.xlane v12, v3;
	_ =	sdelay $0x1  }
0x105: {  	vm7 =	vlt.s32 v12, v14  }
0x106: {  	v12 =	vsel vm7, v12, v14  }
0x107: {  	v14 =	vperm.xlane v12, v0;
	_ =	sdelay $0x1  }
0x108: {  	vm7 =	vlt.s32 v12, v14  }
0x109: {  	v12 =	vsel vm7, v12, v14  }
0x10a: {  	vm7 =	veq.s32 v12, v53  }
0x10b: {  	v13 =	vsel vm7, $0xFF800000, v18  }
0x10c: {  	v20 =	vperm.xlane v13, v1;
	_ =	sdelay $0x1  }
0x10d: {  	v14 =	vmax.f32 v13, v20  }
0x10e: {  	v15 =	vperm.xlane v14, v2;
	_ =	sdelay $0x1  }
0x10f: {  	v14 =	vmax.f32 v14, v15  }
0x110: {  	v16 =	vperm.xlane v14, v3;
	_ =	sdelay $0x1  }
0x111: {  	v14 =	vmax.f32 v14, v16  }
0x112: {  	v23 =	vperm.xlane v14, v0;
	_ =	sdelay $0x1  }
0x113: {  	v14 =	vmax.f32 v14, v23  }
0x114: {  	vm8 =	veq.f32 v13, v14  }
0x115: {  	v14 =	vnsel vm8, $0x10, v53  }
0x116: {  	v21 =	vnsel vm1, $0x0, v50;
	v26 =	vperm.xlane v14, v1  }
0x117: {  	v22 =	vnsel vm2, $0x0, v50;
	v17 =	vperm.xlane v21, v1  }
0x118: {  	v36 =	vnsel vm5, $0x0, v50;
	v18 =	vperm.xlane v22, v1;
	vm1 =	vlt.s32 v14, v26  }
0x119: {  	v37 =	vperm.xlane v36, v1;
	v15 =	vadd.f32 v21, v17;
	v14 =	vsel vm1, v14, v26  }
0x11a: {  	vm10 =	vcmask $0x720;
	v16 =	vadd.f32 v22, v18;
	v17 =	vperm.xlane v14, v2  }
0x11b: {  	vm11 =	vcmask $0xB20;
	v41 =	vadd.f32 v36, v37;
	v19 =	vperm.xlane v15, v2  }
0x11c: {  	vm12 =	vcmask $0xF20;
	v25 =	vperm.xlane v16, v2;
	vm1 =	vlt.s32 v14, v17  }
0x11d: {  	v45 =	vperm.xlane v41, v2;
	v24 =	vadd.f32 v15, v19;
	v14 =	vsel vm1, v14, v17  }
0x11e: {  	v28 =	vnsel vm3, $0x0, v50;
	v15 =	vadd.f32 v16, v25;
	v31 =	vperm.xlane v14, v3  }
0x11f: {  	v29 =	vperm.xlane v28, v1;
	v8 =	vadd.f32 v41, v45;
	v27 =	vperm.xlane v24, v3  }
0x120: {  	v38 =	vnsel vm6, $0x0, v50;
	v16 =	vperm.xlane v15, v3;
	vm1 =	vlt.s32 v14, v31  }
0x121: {  	v20 =	vnsel vm4, $0x0, v50;
	v13 =	vadd.f32 v24, v27;
	v14 =	vsel vm1, v14, v31  }
0x122: {  	v15 =	vadd.f32 v15, v16;
	v16 =	vadd.f32 v28, v29;
	v33 =	vperm.xlane v14, v0  }
0x123: {  	v39 =	vperm.xlane v38, v1;
	v40 =	vnsel vm7, $0x0, v50;
	v30 =	vperm.xlane v20, v1  }
0x124: {  	v18 =	vperm.xlane v13, v0;
	v19 =	vperm.xlane v16, v2;
	vm9 =	vlt.s32 v14, v33  }
0x125: {  	v42 =	vperm.xlane v40, v1;
	v17 =	vadd.f32 v20, v30;
	v14 =	vsel vm9, v14, v33  }
0x126: {  	v13 =	vadd.f32 v13, v18;
	v34 =	vadd.f32 v16, v19;
	vm2 =	veq.s32 v14, v53  }
0x127: {  	v19 =	vadd.f32 v38, v39;
	v32 =	vperm.xlane v17, v2;
	v6 =	vnsel vm2, $0x0, v50  }
0x128: {  	v21 =	vperm.xlane v15, v0;
	v13 =	vnsel vm0, $0x0, v13;
	v44 =	vperm.xlane v6, v1  }
0x129: {  	v46 =	vperm.xlane v19, v2;
	v35 =	vadd.f32 v17, v32;
	v17 =	vadd.f32 v40, v42  }
0x12a: {  	v15 =	vadd.f32 v15, v21;
	v43 =	vperm.xlane v34, v3;
	v6 =	vadd.f32 v6, v44  }
0x12b: {  	v18 =	vadd.f32 v19, v46;
	vm1 =	vcmask $0x320;
	v47 =	vperm.xlane v17, v2  }
0x12c: {  	v13 =	vsel vm1, v13, v15;
	v22 =	vperm.xlane v35, v3;
	v49 =	vperm.xlane v6, v2  }
0x12d: {  	v15 =	vadd.f32 v34, v43;
	v17 =	vadd.f32 v17, v47;
	v50 =	vperm.xlane v8, v3  }
0x12e: {  	v51 =	vperm.xlane v18, v3;
	v16 =	vadd.f32 v35, v22;
	v6 =	vadd.f32 v6, v49  }
0x12f: {  	v48 =	vperm.xlane v15, v0;
	v53 =	vperm.xlane v17, v3;
	v8 =	vadd.f32 v8, v50  }
0x130: {  	v54 =	vadd.f32 v18, v51;
	v52 =	vperm.xlane v16, v0;
	v55 =	vperm.xlane v6, v3  }
0x131: {  	v15 =	vadd.f32 v15, v48;
	v17 =	vadd.f32 v17, v53;
	v56 =	vperm.xlane v8, v0  }
0x132: {  	v57 =	vperm.xlane v54, v0;
	v16 =	vadd.f32 v16, v52;
	v6 =	vadd.f32 v6, v55  }
0x133: {  	v13 =	vsel vm10, v13, v15;
	v58 =	vperm.xlane v17, v0;
	v8 =	vadd.f32 v8, v56  }
0x134: {  	v15 =	vadd.f32 v54, v57;
	v13 =	vsel vm11, v13, v16;
	v59 =	vperm.xlane v6, v0  }
0x135: {  	vm13 =	vcmask $0x1320;
	v60 =	vadd.f32 v17, v58;
	v8 =	vsel vm12, v13, v8  }
0x136: {  	vm14 =	vcmask $0x1720;
	v8 =	vsel vm13, v8, v15;
	v6 =	vadd.f32 v6, v59  }
0x137: {  	vm15 =	vcmask $0x1B20;
	v8 =	vsel vm14, v8, v60  }
0x138: {  	v6 =	vsel vm15, v8, v6  }
0x139: {  	v1 =	vperm.xlane v6, v1;
	_ =	sdelay $0x1  }
0x13a: {  	v1 =	vadd.f32 v6, v1;
	_ =	sdelay $0x1  }
0x13b: {  	v2 =	vperm.xlane v1, v2;
	_ =	sdelay $0x1  }
0x13c: {  	v1 =	vadd.f32 v1, v2;
	_ =	sdelay $0x1  }
0x13d: {  	v2 =	vperm.xlane v1, v3;
	_ =	sdelay $0x1  }
0x13e: {  	v1 =	vadd.f32 v1, v2;
	_ =	sdelay $0x1  }
0x13f: {  	v61 =	vperm.xlane v1, v0;
	_ =	sdelay $0x1  }
0x140: {  	v0 =	vadd.f32 v1, v61;
	_ =	sdelay $0x1  }
0x141: {  	v0 =	vadd.f32 $9.999999680e-21, v0;
	_ =	sdelay $0x1  }
0x142: {  	(erf) = vrcp.f32 v0;
	_ =	sdelay $0x4  }
0x143: {  	v62 =	vnsel vm0, $0x0, v4  }
0x144: {  	v0 =	vsel vm1, v62, v5  }
0x145: {  	v0 =	vsel vm10, v0, v7  }
0x146: {  	v0 =	vsel vm11, v0, v9  }
0x147: {  	v0 =	vsel vm12, v0, v10;
	v63 =	vpop (erf)  }
0x148: {  	v0 =	vsel vm13, v0, v11;
	v1 =	vmul.f32 $2.500000000e+00, v63  }
0x149: {  	v0 =	vsel vm14, v0, v12  }
0x14a: {  	v0 =	vsel vm15, v0, v14;
	v1 =	vmul.f32 v1, v6  }
0x14b: {  	[tilespmem:$0x1900] =	vst v0  }
0x14c: {  	s30 =	simm.s32 $0x1900;
	[tilespmem:$0x1980] =	vst v1  }
0x14d: {  	[hbm4b:s2+s28] =	stream.linear.scatter [tilespmem:s30], [sflag:$0x1], $0x80, $0x38;
	[tilespmem:$0x1A10] =	vst v63  }
0x14e: {  	_ =	swait.ge [sflag:s4], $0x80  }
0x14f: {  	[sflag:s4] =	ssyncset.done $0x0  }
0x150: {  	s31 =	simm.s32 $0x1980;
	[sflag:s4] =	ssyncadd.s32 $0xFFFFFF80  }
0x151: {  	[hbm4b:s3+s28] =	stream.linear.scatter [tilespmem:s31], [sflag:$0x1], $0x80, $0x38;
	[tilespmem:$0x1A10] =	vst v63  }
0x152: {  	_ =	swait.ge [sflag:s4], $0x80  }
0x153: {  	[sflag:s4] =	ssyncset.done $0x0  }
0x154: {  	[sflag:s4] =	ssyncadd.s32 $0xFFFFFF80  }
.LBB2_5:
0x155: {  	_ =	sfence.sel $0x180000  }
0x156: {  	[bflag:$0x0] =	sbarrier.arrive $0xFFFF  }
0x157: {  	p0 =	sne.s32 s1, $0x0;
	_ =	strace $0x90000047  }
0x158: {  	s0 =	sadd.s32 @!p0 $0x100000, s0;
	[bflag:$0x2] =	sbarrier.arrive $0xFFFF  }
0x159: {  	[sflag:s0] =	ssyncadd.tile.s32 @!p0 $0x1;
	_ =	shalt  }
.Lfunc_end2:
_tile_overlayer_lowered:
.L_overlay_start_2:
0x15a: {  	(tag) =	ssettag $0x2  }
0x15b: {  	s0 =	rddreg [dreg:$0x0];
	s2 =	stileid.u32  }
0x15c: {  	s1 =	rddreg [dreg:$0x1];
	p0 =	sne.s32 s2, $0x0  }
0x15d: {  	s3 =	rddreg [dreg:$0x2];
	[bflag:$0x3] =	sbarrier.arrive $0xFFFF;
	s2 =	simm.s32 @!p0 $0x1C01  }
0x15e: {  	[timem:s3], [sflag:s2] =	dma.local @!p0 [hbm:s0], s1  }
0x15f: {  	s0 =	simm.s32 @!p0 $0x1  }
0x160: {  	_ =	swait.ge @!p0 [sflag:s0], s1  }
0x161: {  	s1 =	ssub.s32 @!p0 $0x0, s1;
	[sflag:s0] =	ssyncset.done @!p0 $0x0  }
0x162: {  	[sflag:s0] =	ssyncadd.s32 @!p0 s1  }
0x163: {  	[bflag:$0x3] =	sbarrier.arrive $0xFFFF  }
0x164: {  	_ =	shalt  }

</sc_bundles>
